<compile_context>
chip_gen: v7x
topology: tpu7x:2x2x1
jax: 0.10.2.dev20260603
libtpu: 0.0.44.dev20260713+nightly
codegen_flags: <defaults>
</compile_context>

<pallas_src>
import jax
import jax.numpy as jnp
from jax import lax
from jax.experimental import pallas as pl
from jax.experimental.pallas import tpu as pltpu
from jax.experimental.pallas import tpu_sc as plsc

B, L, D = 4, 4096, 2048
NW = 32
LPW = L // NW
R = 8
CHUNK = R * D
NCH = LPW // R
VECS = CHUNK // 16

_mesh = plsc.VectorSubcoreMesh(core_axis_name="c", subcore_axis_name="s")

_vmem = lambda: pltpu.VMEM((CHUNK,), jnp.float32)


def _kernel_fn(x_hbm, emb_hbm, out_hbm, ev0, ev1, xv0, xv1, ov0, ov1,
               sev0, sev1, sxv0, sxv1, sov0, sov1):
    wid = lax.axis_index("s") * 2 + lax.axis_index("c")
    lbase = wid * LPW
    evb = ((ev0, sev0), (ev1, sev1))
    xvb = ((xv0, sxv0), (xv1, sxv1))
    ovb = ((ov0, sov0), (ov1, sov1))

    def eoff(i):
        return (lbase + i * R) * D

    def xoff(i, b):
        return (b * L + lbase + i * R) * D

    def load_e(i, slot):
        ev, se = evb[slot]
        return pltpu.make_async_copy(emb_hbm.at[pl.ds(eoff(i), CHUNK)], ev, se)

    def load_x(i, b, slot):
        xv, sx = xvb[slot]
        return pltpu.make_async_copy(x_hbm.at[pl.ds(xoff(i, b), CHUNK)], xv, sx)

    def store_o(i, b, slot):
        ov, so = ovb[slot]
        return pltpu.make_async_copy(ov, out_hbm.at[pl.ds(xoff(i, b), CHUNK)], so)

    load_e(0, 0).start()
    load_x(0, 0, 0).start()
    load_x(0, 1, 1).start()

    def round_body(k, _):
        for ip in range(2):
            i = 2 * k + ip
            load_e(i, ip).wait()
            for b in range(4):
                s = b % 2
                load_x(i, b, s).wait()
                first = (i == 0) & (b < 2)

                @pl.when(jnp.logical_not(first))
                def _wait_store():
                    pi, pb = (i, b - 2) if b >= 2 else (i - 1, b + 2)
                    store_o(pi, pb, s).wait()

                ev = evb[ip][0]
                xv = xvb[s][0]
                ov = ovb[s][0]

                @plsc.parallel_loop(0, VECS, unroll=8)
                def _vec_body(j):
                    o = j * 16
                    ov[pl.ds(o, 16)] = xv[pl.ds(o, 16)] + ev[pl.ds(o, 16)]

                store_o(i, b, s).start()
                if b < 2:
                    load_x(i, b + 2, s).start()
                else:
                    @pl.when(i + 1 < NCH)
                    def _pf_x():
                        load_x(i + 1, b - 2, s).start()
                if b == 0:
                    @pl.when(i + 1 < NCH)
                    def _pf_e():
                        load_e(i + 1, 1 - ip).start()
        return 0

    lax.fori_loop(0, NCH // 2, round_body, 0)
    store_o(NCH - 1, 2, 0).wait()
    store_o(NCH - 1, 3, 1).wait()


_sc_add = pl.kernel(
    _kernel_fn,
    out_type=jax.ShapeDtypeStruct((B * L * D,), jnp.float32),
    mesh=_mesh,
    scratch_types=[
        _vmem(), _vmem(),
        _vmem(), _vmem(),
        _vmem(), _vmem(),
        pltpu.SemaphoreType.DMA, pltpu.SemaphoreType.DMA,
        pltpu.SemaphoreType.DMA, pltpu.SemaphoreType.DMA,
        pltpu.SemaphoreType.DMA, pltpu.SemaphoreType.DMA,
    ],
)


def kernel(x, emb_weight):
    out = _sc_add(x.reshape(B * L * D), emb_weight.reshape(L * D))
    return out.reshape(B, L, D)

# --- scband reference (transcript-rebuilt; emitter-appended) ---
"""Pipeline reference for scband-learnable-positional-embedding-52974126629155 (READ-ONLY COPY).

The authoritative reference and input builder live on the scoring server;
editing this copy changes nothing except your own understanding.
"""

import jax, jax.numpy as jnp
import numpy as np

MAX_LEN = 4096
EMBED_DIM = 2048
B, L, D = 4, 4096, 2048

def setup_inputs(seed: int = 0) -> dict:
    key = jax.random.key(seed)
    kx, kw = jax.random.split(key)
    x = jax.random.normal(kx, (B, L, D), dtype=jnp.float32)
    # nn.Embedding weight, init normal std=0.02
    emb_weight = jax.random.normal(kw, (MAX_LEN, EMBED_DIM), dtype=jnp.float32) * 0.02
    return {"x": x, "emb_weight": emb_weight}

def reference(x, emb_weight):
    # positions = arange(L) broadcast over batch
    Bx, Lx, Dx = x.shape
    positions = jnp.arange(Lx)  # [L]
    pos_embeds = jnp.take(emb_weight, positions, axis=0)  # [L, D]
    pos_embeds = jnp.broadcast_to(pos_embeds[None, :, :], (Bx, Lx, Dx))
    # dropout is identity in eval mode
    return x + pos_embeds

if __name__ == "__main__":
    import jax
    _d = setup_inputs()
    print(jax.jit(kernel)(*tuple(_d.values())))

</pallas_src>

<mosaic_0001>
#map = affine_map<(d0, d1) -> (0)>
module attributes {stable_mosaic.version = 14 : i64} {
  func.func @_kernel_fn(%arg0: i32, %arg1: i32, %arg2: memref<33554432xf32, #tpu.memory_space<hbm>>, %arg3: memref<8388608xf32, #tpu.memory_space<hbm>>, %arg4: memref<33554432xf32, #tpu.memory_space<hbm>>, %arg5: memref<16384xf32, #tpu.memory_space<vmem>>, %arg6: memref<16384xf32, #tpu.memory_space<vmem>>, %arg7: memref<16384xf32, #tpu.memory_space<vmem>>, %arg8: memref<16384xf32, #tpu.memory_space<vmem>>, %arg9: memref<16384xf32, #tpu.memory_space<vmem>>, %arg10: memref<16384xf32, #tpu.memory_space<vmem>>, %arg11: memref<!tpu.dma_semaphore, #tpu.memory_space<semaphore_mem>>, %arg12: memref<!tpu.dma_semaphore, #tpu.memory_space<semaphore_mem>>, %arg13: memref<!tpu.dma_semaphore, #tpu.memory_space<semaphore_mem>>, %arg14: memref<!tpu.dma_semaphore, #tpu.memory_space<semaphore_mem>>, %arg15: memref<!tpu.dma_semaphore, #tpu.memory_space<semaphore_mem>>, %arg16: memref<!tpu.dma_semaphore, #tpu.memory_space<semaphore_mem>>) attributes {dimension_semantics = [#tpu.dimension_semantics<core_parallel>, #tpu.dimension_semantics<subcore_parallel>], iteration_bounds = array<i64: 2, 16>, scalar_prefetch = 0 : i64, scratch_operands = 12 : i64, tpu.core_type = #tpu.core_type<sc_vector_subcore>, window_params = [{transform_indices = #map}, {transform_indices = #map}, {transform_indices = #map}]} {
    %mul3A = arith.constant 2 : i32
    %mul3A_0 = arith.muli %arg1, %mul3A : i32
    %add3A = arith.addi %mul3A_0, %arg0 : i32
    %mul3A_1 = arith.constant 128 : i32
    %mul3A_2 = arith.muli %add3A, %mul3A_1 : i32
    %add3A_3 = arith.constant 0 : i32
    %add3A_4 = arith.addi %mul3A_2, %add3A_3 : i32
    %mul3A_5 = arith.constant 2048 : i32
    %mul3A_6 = arith.muli %add3A_4, %mul3A_5 : i32
    %dma_start3A = tpu.memref_slice %arg3[%mul3A_6] : memref<8388608xf32, #tpu.memory_space<hbm>> -> memref<16384xf32, #tpu.memory_space<hbm>>
    %dma_start3A_7 = tpu.memref_slice %arg3[%mul3A_6] : memref<8388608xf32, #tpu.memory_space<hbm>> -> memref<16384xf32, #tpu.memory_space<hbm>>
    tpu.enqueue_dma source(%dma_start3A_7 : memref<16384xf32, #tpu.memory_space<hbm>>) target(%arg5 : memref<16384xf32, #tpu.memory_space<vmem>>) target_semaphore(%arg11 : memref<!tpu.dma_semaphore, #tpu.memory_space<semaphore_mem>>)
    %add3A_8 = arith.constant 0 : i32
    %add3A_9 = arith.addi %add3A_8, %mul3A_2 : i32
    %add3A_10 = arith.constant 0 : i32
    %add3A_11 = arith.addi %add3A_9, %add3A_10 : i32
    %mul3A_12 = arith.constant 2048 : i32
    %mul3A_13 = arith.muli %add3A_11, %mul3A_12 : i32
    %dma_start3A_14 = tpu.memref_slice %arg2[%mul3A_13] : memref<33554432xf32, #tpu.memory_space<hbm>> -> memref<16384xf32, #tpu.memory_space<hbm>>
    %dma_start3A_15 = tpu.memref_slice %arg2[%mul3A_13] : memref<33554432xf32, #tpu.memory_space<hbm>> -> memref<16384xf32, #tpu.memory_space<hbm>>
    tpu.enqueue_dma source(%dma_start3A_15 : memref<16384xf32, #tpu.memory_space<hbm>>) target(%arg7 : memref<16384xf32, #tpu.memory_space<vmem>>) target_semaphore(%arg13 : memref<!tpu.dma_semaphore, #tpu.memory_space<semaphore_mem>>)
    %add3A_16 = arith.constant 4096 : i32
    %add3A_17 = arith.addi %add3A_16, %mul3A_2 : i32
    %add3A_18 = arith.constant 0 : i32
    %add3A_19 = arith.addi %add3A_17, %add3A_18 : i32
    %mul3A_20 = arith.constant 2048 : i32
    %mul3A_21 = arith.muli %add3A_19, %mul3A_20 : i32
    %dma_start3A_22 = tpu.memref_slice %arg2[%mul3A_21] : memref<33554432xf32, #tpu.memory_space<hbm>> -> memref<16384xf32, #tpu.memory_space<hbm>>
    %dma_start3A_23 = tpu.memref_slice %arg2[%mul3A_21] : memref<33554432xf32, #tpu.memory_space<hbm>> -> memref<16384xf32, #tpu.memory_space<hbm>>
    tpu.enqueue_dma source(%dma_start3A_23 : memref<16384xf32, #tpu.memory_space<hbm>>) target(%arg8 : memref<16384xf32, #tpu.memory_space<vmem>>) target_semaphore(%arg14 : memref<!tpu.dma_semaphore, #tpu.memory_space<semaphore_mem>>)
    %scan3A = arith.constant 0 : i32
    %scan3A_24 = arith.constant 0 : i32
    %scan3A_25 = arith.constant 8 : i32
    %scan3A_26 = arith.addi %scan3A_24, %scan3A_25 : i32
    %scan3A_27 = arith.constant 1 : i32
    %scan3A_28 = scf.for %scan3A_45 = %scan3A_24 to %scan3A_26 step %scan3A_27 iter_args(%scan3A_46 = %scan3A) -> (i32)  : i32 {
      %mul3A_47 = arith.constant 2 : i32
      %mul3A_48 = arith.muli %mul3A_47, %scan3A_45 : i32
      %add3A_49 = arith.constant 0 : i32
      %add3A_50 = arith.addi %mul3A_48, %add3A_49 : i32
      %mul3A_51 = arith.constant 8 : i32
      %mul3A_52 = arith.muli %add3A_50, %mul3A_51 : i32
      %add3A_53 = arith.addi %mul3A_2, %mul3A_52 : i32
      %mul3A_54 = arith.constant 2048 : i32
      %mul3A_55 = arith.muli %add3A_53, %mul3A_54 : i32
      %dma_wait3A_56 = tpu.memref_slice %arg3[%mul3A_55] : memref<8388608xf32, #tpu.memory_space<hbm>> -> memref<16384xf32, #tpu.memory_space<hbm>>
      %dma_wait3A_57 = tpu.memref_slice %arg3[%mul3A_55] : memref<8388608xf32, #tpu.memory_space<hbm>> -> memref<16384xf32, #tpu.memory_space<hbm>>
      tpu.wait_dma2 semaphore(%arg11 : memref<!tpu.dma_semaphore, #tpu.memory_space<semaphore_mem>>) src(%dma_wait3A_57 : memref<16384xf32, #tpu.memory_space<hbm>>) dst(%arg5 : memref<16384xf32, #tpu.memory_space<vmem>>)
      %add3A_58 = arith.constant 0 : i32
      %add3A_59 = arith.addi %add3A_58, %mul3A_2 : i32
      %mul3A_60 = arith.constant 8 : i32
      %mul3A_61 = arith.muli %add3A_50, %mul3A_60 : i32
      %add3A_62 = arith.addi %add3A_59, %mul3A_61 : i32
      %mul3A_63 = arith.constant 2048 : i32
      %mul3A_64 = arith.muli %add3A_62, %mul3A_63 : i32
      %dma_wait3A_65 = tpu.memref_slice %arg2[%mul3A_64] : memref<33554432xf32, #tpu.memory_space<hbm>> -> memref<16384xf32, #tpu.memory_space<hbm>>
      %dma_wait3A_66 = tpu.memref_slice %arg2[%mul3A_64] : memref<33554432xf32, #tpu.memory_space<hbm>> -> memref<16384xf32, #tpu.memory_space<hbm>>
      tpu.wait_dma2 semaphore(%arg13 : memref<!tpu.dma_semaphore, #tpu.memory_space<semaphore_mem>>) src(%dma_wait3A_66 : memref<16384xf32, #tpu.memory_space<hbm>>) dst(%arg7 : memref<16384xf32, #tpu.memory_space<vmem>>)
      %eq3A = arith.constant 0 : i32
      %eq3A_67 = arith.cmpi eq, %add3A_50, %eq3A : i32
      %and3A = arith.constant true
      %and3A_68 = arith.andi %eq3A_67, %and3A : i1
      %not3A = arith.constant true
      %not3A_69 = arith.xori %and3A_68, %not3A : i1
      %convert_element_type3A = arith.extui %not3A_69 : i1 to i32
      %cond3A = arith.constant 0 : i32
      %cond3A_70 = arith.cmpi ne, %convert_element_type3A, %cond3A : i32
      scf.if %cond3A_70 {
        %sub3A = arith.constant 1 : i32
        %sub3A_381 = arith.subi %add3A_50, %sub3A : i32
        %add3A_382 = arith.constant 8192 : i32
        %add3A_383 = arith.addi %add3A_382, %mul3A_2 : i32
        %mul3A_384 = arith.constant 8 : i32
        %mul3A_385 = arith.muli %sub3A_381, %mul3A_384 : i32
        %add3A_386 = arith.addi %add3A_383, %mul3A_385 : i32
        %mul3A_387 = arith.constant 2048 : i32
        %mul3A_388 = arith.muli %add3A_386, %mul3A_387 : i32
        %dma_wait3A_389 = tpu.memref_slice %arg4[%mul3A_388] : memref<33554432xf32, #tpu.memory_space<hbm>> -> memref<16384xf32, #tpu.memory_space<hbm>>
        %dma_wait3A_390 = tpu.memref_slice %arg4[%mul3A_388] : memref<33554432xf32, #tpu.memory_space<hbm>> -> memref<16384xf32, #tpu.memory_space<hbm>>
        tpu.wait_dma2 semaphore(%arg15 : memref<!tpu.dma_semaphore, #tpu.memory_space<semaphore_mem>>) src(%arg9 : memref<16384xf32, #tpu.memory_space<vmem>>) dst(%dma_wait3A_390 : memref<16384xf32, #tpu.memory_space<hbm>>)
      } else {
      }
      %parallel_loop3A = arith.constant 0 : i32
      %parallel_loop3A_71 = arith.constant 1024 : i32
      %parallel_loop3A_72 = arith.constant 1 : i32
      scf.for %parallel_loop3A_381 = %parallel_loop3A to %parallel_loop3A_71 step %parallel_loop3A_72  : i32 {
        %parallel_loop3A_382 = arith.constant 16 : i32
        %parallel_loop3A_383 = arith.muli %parallel_loop3A_381, %parallel_loop3A_382 : i32
        %parallel_loop3A_384 = arith.index_cast %parallel_loop3A_383 : i32 to index
        %parallel_loop3A_385 = tpu.vector_load %arg7[%parallel_loop3A_384] {strides = array<i32>} : memref<16384xf32, #tpu.memory_space<vmem>>, vector<16xf32>,
        %parallel_loop3A_386 = vector.shape_cast %parallel_loop3A_385 : vector<16xf32> to vector<16xf32>
        %parallel_loop3A_387 = arith.index_cast %parallel_loop3A_383 : i32 to index
        %parallel_loop3A_388 = tpu.vector_load %arg5[%parallel_loop3A_387] {strides = array<i32>} : memref<16384xf32, #tpu.memory_space<vmem>>, vector<16xf32>,
        %parallel_loop3A_389 = vector.shape_cast %parallel_loop3A_388 : vector<16xf32> to vector<16xf32>
        %parallel_loop3A_390 = arith.addf %parallel_loop3A_386, %parallel_loop3A_389 : vector<16xf32>
        %parallel_loop3A_391 = arith.index_cast %parallel_loop3A_383 : i32 to index
        %parallel_loop3A_392 = tpu.vector_load %arg9[%parallel_loop3A_391] {strides = array<i32>} : memref<16384xf32, #tpu.memory_space<vmem>>, vector<16xf32>,
        %parallel_loop3A_393 = vector.shape_cast %parallel_loop3A_392 : vector<16xf32> to vector<16xf32>
        %parallel_loop3A_394 = vector.shape_cast %parallel_loop3A_390 : vector<16xf32> to vector<16xf32>
        tpu.vector_store %arg9[%parallel_loop3A_391], %parallel_loop3A_394 {strides = array<i32>} : memref<16384xf32, #tpu.memory_space<vmem>>, vector<16xf32>,
      } {sc.loop_unroll_factor = 8 : i64, sc.parallel_access}
      %add3A_73 = arith.constant 0 : i32
      %add3A_74 = arith.addi %add3A_73, %mul3A_2 : i32
      %mul3A_75 = arith.constant 8 : i32
      %mul3A_76 = arith.muli %add3A_50, %mul3A_75 : i32
      %add3A_77 = arith.addi %add3A_74, %mul3A_76 : i32
      %mul3A_78 = arith.constant 2048 : i32
      %mul3A_79 = arith.muli %add3A_77, %mul3A_78 : i32
      %dma_start3A_80 = tpu.memref_slice %arg4[%mul3A_79] : memref<33554432xf32, #tpu.memory_space<hbm>> -> memref<16384xf32, #tpu.memory_space<hbm>>
      %dma_start3A_81 = tpu.memref_slice %arg4[%mul3A_79] : memref<33554432xf32, #tpu.memory_space<hbm>> -> memref<16384xf32, #tpu.memory_space<hbm>>
      tpu.enqueue_dma source(%arg9 : memref<16384xf32, #tpu.memory_space<vmem>>) target(%dma_start3A_81 : memref<16384xf32, #tpu.memory_space<hbm>>) target_semaphore(%arg15 : memref<!tpu.dma_semaphore, #tpu.memory_space<semaphore_mem>>)
      %add3A_82 = arith.constant 8192 : i32
      %add3A_83 = arith.addi %add3A_82, %mul3A_2 : i32
      %mul3A_84 = arith.constant 8 : i32
      %mul3A_85 = arith.muli %add3A_50, %mul3A_84 : i32
      %add3A_86 = arith.addi %add3A_83, %mul3A_85 : i32
      %mul3A_87 = arith.constant 2048 : i32
      %mul3A_88 = arith.muli %add3A_86, %mul3A_87 : i32
      %dma_start3A_89 = tpu.memref_slice %arg2[%mul3A_88] : memref<33554432xf32, #tpu.memory_space<hbm>> -> memref<16384xf32, #tpu.memory_space<hbm>>
      %dma_start3A_90 = tpu.memref_slice %arg2[%mul3A_88] : memref<33554432xf32, #tpu.memory_space<hbm>> -> memref<16384xf32, #tpu.memory_space<hbm>>
      tpu.enqueue_dma source(%dma_start3A_90 : memref<16384xf32, #tpu.memory_space<hbm>>) target(%arg7 : memref<16384xf32, #tpu.memory_space<vmem>>) target_semaphore(%arg13 : memref<!tpu.dma_semaphore, #tpu.memory_space<semaphore_mem>>)
      %add3A_91 = arith.constant 1 : i32
      %add3A_92 = arith.addi %add3A_50, %add3A_91 : i32
      %lt3A = arith.constant 16 : i32
      %lt3A_93 = arith.cmpi slt, %add3A_92, %lt3A : i32
      %convert_element_type3A_94 = arith.extui %lt3A_93 : i1 to i32
      %cond3A_95 = arith.constant 0 : i32
      %cond3A_96 = arith.cmpi ne, %convert_element_type3A_94, %cond3A_95 : i32
      scf.if %cond3A_96 {
        %add3A_381 = arith.constant 1 : i32
        %add3A_382 = arith.addi %add3A_50, %add3A_381 : i32
        %mul3A_383 = arith.constant 8 : i32
        %mul3A_384 = arith.muli %add3A_382, %mul3A_383 : i32
        %add3A_385 = arith.addi %mul3A_2, %mul3A_384 : i32
        %mul3A_386 = arith.constant 2048 : i32
        %mul3A_387 = arith.muli %add3A_385, %mul3A_386 : i32
        %dma_start3A_388 = tpu.memref_slice %arg3[%mul3A_387] : memref<8388608xf32, #tpu.memory_space<hbm>> -> memref<16384xf32, #tpu.memory_space<hbm>>
        %dma_start3A_389 = tpu.memref_slice %arg3[%mul3A_387] : memref<8388608xf32, #tpu.memory_space<hbm>> -> memref<16384xf32, #tpu.memory_space<hbm>>
        tpu.enqueue_dma source(%dma_start3A_389 : memref<16384xf32, #tpu.memory_space<hbm>>) target(%arg6 : memref<16384xf32, #tpu.memory_space<vmem>>) target_semaphore(%arg12 : memref<!tpu.dma_semaphore, #tpu.memory_space<semaphore_mem>>)
      } else {
      }
      %add3A_97 = arith.constant 4096 : i32
      %add3A_98 = arith.addi %add3A_97, %mul3A_2 : i32
      %mul3A_99 = arith.constant 8 : i32
      %mul3A_100 = arith.muli %add3A_50, %mul3A_99 : i32
      %add3A_101 = arith.addi %add3A_98, %mul3A_100 : i32
      %mul3A_102 = arith.constant 2048 : i32
      %mul3A_103 = arith.muli %add3A_101, %mul3A_102 : i32
      %dma_wait3A_104 = tpu.memref_slice %arg2[%mul3A_103] : memref<33554432xf32, #tpu.memory_space<hbm>> -> memref<16384xf32, #tpu.memory_space<hbm>>
      %dma_wait3A_105 = tpu.memref_slice %arg2[%mul3A_103] : memref<33554432xf32, #tpu.memory_space<hbm>> -> memref<16384xf32, #tpu.memory_space<hbm>>
      tpu.wait_dma2 semaphore(%arg14 : memref<!tpu.dma_semaphore, #tpu.memory_space<semaphore_mem>>) src(%dma_wait3A_105 : memref<16384xf32, #tpu.memory_space<hbm>>) dst(%arg8 : memref<16384xf32, #tpu.memory_space<vmem>>)
      %eq3A_106 = arith.constant 0 : i32
      %eq3A_107 = arith.cmpi eq, %add3A_50, %eq3A_106 : i32
      %and3A_108 = arith.constant true
      %and3A_109 = arith.andi %eq3A_107, %and3A_108 : i1
      %not3A_110 = arith.constant true
      %not3A_111 = arith.xori %and3A_109, %not3A_110 : i1
      %convert_element_type3A_112 = arith.extui %not3A_111 : i1 to i32
      %cond3A_113 = arith.constant 0 : i32
      %cond3A_114 = arith.cmpi ne, %convert_element_type3A_112, %cond3A_113 : i32
      scf.if %cond3A_114 {
        %sub3A = arith.constant 1 : i32
        %sub3A_381 = arith.subi %add3A_50, %sub3A : i32
        %add3A_382 = arith.constant 12288 : i32
        %add3A_383 = arith.addi %add3A_382, %mul3A_2 : i32
        %mul3A_384 = arith.constant 8 : i32
        %mul3A_385 = arith.muli %sub3A_381, %mul3A_384 : i32
        %add3A_386 = arith.addi %add3A_383, %mul3A_385 : i32
        %mul3A_387 = arith.constant 2048 : i32
        %mul3A_388 = arith.muli %add3A_386, %mul3A_387 : i32
        %dma_wait3A_389 = tpu.memref_slice %arg4[%mul3A_388] : memref<33554432xf32, #tpu.memory_space<hbm>> -> memref<16384xf32, #tpu.memory_space<hbm>>
        %dma_wait3A_390 = tpu.memref_slice %arg4[%mul3A_388] : memref<33554432xf32, #tpu.memory_space<hbm>> -> memref<16384xf32, #tpu.memory_space<hbm>>
        tpu.wait_dma2 semaphore(%arg16 : memref<!tpu.dma_semaphore, #tpu.memory_space<semaphore_mem>>) src(%arg10 : memref<16384xf32, #tpu.memory_space<vmem>>) dst(%dma_wait3A_390 : memref<16384xf32, #tpu.memory_space<hbm>>)
      } else {
      }
      %parallel_loop3A_115 = arith.constant 0 : i32
      %parallel_loop3A_116 = arith.constant 1024 : i32
      %parallel_loop3A_117 = arith.constant 1 : i32
      scf.for %parallel_loop3A_381 = %parallel_loop3A_115 to %parallel_loop3A_116 step %parallel_loop3A_117  : i32 {
        %parallel_loop3A_382 = arith.constant 16 : i32
        %parallel_loop3A_383 = arith.muli %parallel_loop3A_381, %parallel_loop3A_382 : i32
        %parallel_loop3A_384 = arith.index_cast %parallel_loop3A_383 : i32 to index
        %parallel_loop3A_385 = tpu.vector_load %arg8[%parallel_loop3A_384] {strides = array<i32>} : memref<16384xf32, #tpu.memory_space<vmem>>, vector<16xf32>,
        %parallel_loop3A_386 = vector.shape_cast %parallel_loop3A_385 : vector<16xf32> to vector<16xf32>
        %parallel_loop3A_387 = arith.index_cast %parallel_loop3A_383 : i32 to index
        %parallel_loop3A_388 = tpu.vector_load %arg5[%parallel_loop3A_387] {strides = array<i32>} : memref<16384xf32, #tpu.memory_space<vmem>>, vector<16xf32>,
        %parallel_loop3A_389 = vector.shape_cast %parallel_loop3A_388 : vector<16xf32> to vector<16xf32>
        %parallel_loop3A_390 = arith.addf %parallel_loop3A_386, %parallel_loop3A_389 : vector<16xf32>
        %parallel_loop3A_391 = arith.index_cast %parallel_loop3A_383 : i32 to index
        %parallel_loop3A_392 = tpu.vector_load %arg10[%parallel_loop3A_391] {strides = array<i32>} : memref<16384xf32, #tpu.memory_space<vmem>>, vector<16xf32>,
        %parallel_loop3A_393 = vector.shape_cast %parallel_loop3A_392 : vector<16xf32> to vector<16xf32>
        %parallel_loop3A_394 = vector.shape_cast %parallel_loop3A_390 : vector<16xf32> to vector<16xf32>
        tpu.vector_store %arg10[%parallel_loop3A_391], %parallel_loop3A_394 {strides = array<i32>} : memref<16384xf32, #tpu.memory_space<vmem>>, vector<16xf32>,
      } {sc.loop_unroll_factor = 8 : i64, sc.parallel_access}
      %add3A_118 = arith.constant 4096 : i32
      %add3A_119 = arith.addi %add3A_118, %mul3A_2 : i32
      %mul3A_120 = arith.constant 8 : i32
      %mul3A_121 = arith.muli %add3A_50, %mul3A_120 : i32
      %add3A_122 = arith.addi %add3A_119, %mul3A_121 : i32
      %mul3A_123 = arith.constant 2048 : i32
      %mul3A_124 = arith.muli %add3A_122, %mul3A_123 : i32
      %dma_start3A_125 = tpu.memref_slice %arg4[%mul3A_124] : memref<33554432xf32, #tpu.memory_space<hbm>> -> memref<16384xf32, #tpu.memory_space<hbm>>
      %dma_start3A_126 = tpu.memref_slice %arg4[%mul3A_124] : memref<33554432xf32, #tpu.memory_space<hbm>> -> memref<16384xf32, #tpu.memory_space<hbm>>
      tpu.enqueue_dma source(%arg10 : memref<16384xf32, #tpu.memory_space<vmem>>) target(%dma_start3A_126 : memref<16384xf32, #tpu.memory_space<hbm>>) target_semaphore(%arg16 : memref<!tpu.dma_semaphore, #tpu.memory_space<semaphore_mem>>)
      %add3A_127 = arith.constant 12288 : i32
      %add3A_128 = arith.addi %add3A_127, %mul3A_2 : i32
      %mul3A_129 = arith.constant 8 : i32
      %mul3A_130 = arith.muli %add3A_50, %mul3A_129 : i32
      %add3A_131 = arith.addi %add3A_128, %mul3A_130 : i32
      %mul3A_132 = arith.constant 2048 : i32
      %mul3A_133 = arith.muli %add3A_131, %mul3A_132 : i32
      %dma_start3A_134 = tpu.memref_slice %arg2[%mul3A_133] : memref<33554432xf32, #tpu.memory_space<hbm>> -> memref<16384xf32, #tpu.memory_space<hbm>>
      %dma_start3A_135 = tpu.memref_slice %arg2[%mul3A_133] : memref<33554432xf32, #tpu.memory_space<hbm>> -> memref<16384xf32, #tpu.memory_space<hbm>>
      tpu.enqueue_dma source(%dma_start3A_135 : memref<16384xf32, #tpu.memory_space<hbm>>) target(%arg8 : memref<16384xf32, #tpu.memory_space<vmem>>) target_semaphore(%arg14 : memref<!tpu.dma_semaphore, #tpu.memory_space<semaphore_mem>>)
      %add3A_136 = arith.constant 8192 : i32
      %add3A_137 = arith.addi %add3A_136, %mul3A_2 : i32
      %mul3A_138 = arith.constant 8 : i32
      %mul3A_139 = arith.muli %add3A_50, %mul3A_138 : i32
      %add3A_140 = arith.addi %add3A_137, %mul3A_139 : i32
      %mul3A_141 = arith.constant 2048 : i32
      %mul3A_142 = arith.muli %add3A_140, %mul3A_141 : i32
      %dma_wait3A_143 = tpu.memref_slice %arg2[%mul3A_142] : memref<33554432xf32, #tpu.memory_space<hbm>> -> memref<16384xf32, #tpu.memory_space<hbm>>
      %dma_wait3A_144 = tpu.memref_slice %arg2[%mul3A_142] : memref<33554432xf32, #tpu.memory_space<hbm>> -> memref<16384xf32, #tpu.memory_space<hbm>>
      tpu.wait_dma2 semaphore(%arg13 : memref<!tpu.dma_semaphore, #tpu.memory_space<semaphore_mem>>) src(%dma_wait3A_144 : memref<16384xf32, #tpu.memory_space<hbm>>) dst(%arg7 : memref<16384xf32, #tpu.memory_space<vmem>>)
      %eq3A_145 = arith.constant 0 : i32
      %eq3A_146 = arith.cmpi eq, %add3A_50, %eq3A_145 : i32
      %and3A_147 = arith.constant false
      %and3A_148 = arith.andi %eq3A_146, %and3A_147 : i1
      %not3A_149 = arith.constant true
      %not3A_150 = arith.xori %and3A_148, %not3A_149 : i1
      %convert_element_type3A_151 = arith.extui %not3A_150 : i1 to i32
      %cond3A_152 = arith.constant 0 : i32
      %cond3A_153 = arith.cmpi ne, %convert_element_type3A_151, %cond3A_152 : i32
      scf.if %cond3A_153 {
        %add3A_381 = arith.constant 0 : i32
        %add3A_382 = arith.addi %add3A_381, %mul3A_2 : i32
        %mul3A_383 = arith.constant 8 : i32
        %mul3A_384 = arith.muli %add3A_50, %mul3A_383 : i32
        %add3A_385 = arith.addi %add3A_382, %mul3A_384 : i32
        %mul3A_386 = arith.constant 2048 : i32
        %mul3A_387 = arith.muli %add3A_385, %mul3A_386 : i32
        %dma_wait3A_388 = tpu.memref_slice %arg4[%mul3A_387] : memref<33554432xf32, #tpu.memory_space<hbm>> -> memref<16384xf32, #tpu.memory_space<hbm>>
        %dma_wait3A_389 = tpu.memref_slice %arg4[%mul3A_387] : memref<33554432xf32, #tpu.memory_space<hbm>> -> memref<16384xf32, #tpu.memory_space<hbm>>
        tpu.wait_dma2 semaphore(%arg15 : memref<!tpu.dma_semaphore, #tpu.memory_space<semaphore_mem>>) src(%arg9 : memref<16384xf32, #tpu.memory_space<vmem>>) dst(%dma_wait3A_389 : memref<16384xf32, #tpu.memory_space<hbm>>)
      } else {
      }
      %parallel_loop3A_154 = arith.constant 0 : i32
      %parallel_loop3A_155 = arith.constant 1024 : i32
      %parallel_loop3A_156 = arith.constant 1 : i32
      scf.for %parallel_loop3A_381 = %parallel_loop3A_154 to %parallel_loop3A_155 step %parallel_loop3A_156  : i32 {
        %parallel_loop3A_382 = arith.constant 16 : i32
        %parallel_loop3A_383 = arith.muli %parallel_loop3A_381, %parallel_loop3A_382 : i32
        %parallel_loop3A_384 = arith.index_cast %parallel_loop3A_383 : i32 to index
        %parallel_loop3A_385 = tpu.vector_load %arg7[%parallel_loop3A_384] {strides = array<i32>} : memref<16384xf32, #tpu.memory_space<vmem>>, vector<16xf32>,
        %parallel_loop3A_386 = vector.shape_cast %parallel_loop3A_385 : vector<16xf32> to vector<16xf32>
        %parallel_loop3A_387 = arith.index_cast %parallel_loop3A_383 : i32 to index
        %parallel_loop3A_388 = tpu.vector_load %arg5[%parallel_loop3A_387] {strides = array<i32>} : memref<16384xf32, #tpu.memory_space<vmem>>, vector<16xf32>,
        %parallel_loop3A_389 = vector.shape_cast %parallel_loop3A_388 : vector<16xf32> to vector<16xf32>
        %parallel_loop3A_390 = arith.addf %parallel_loop3A_386, %parallel_loop3A_389 : vector<16xf32>
        %parallel_loop3A_391 = arith.index_cast %parallel_loop3A_383 : i32 to index
        %parallel_loop3A_392 = tpu.vector_load %arg9[%parallel_loop3A_391] {strides = array<i32>} : memref<16384xf32, #tpu.memory_space<vmem>>, vector<16xf32>,
        %parallel_loop3A_393 = vector.shape_cast %parallel_loop3A_392 : vector<16xf32> to vector<16xf32>
        %parallel_loop3A_394 = vector.shape_cast %parallel_loop3A_390 : vector<16xf32> to vector<16xf32>
        tpu.vector_store %arg9[%parallel_loop3A_391], %parallel_loop3A_394 {strides = array<i32>} : memref<16384xf32, #tpu.memory_space<vmem>>, vector<16xf32>,
      } {sc.loop_unroll_factor = 8 : i64, sc.parallel_access}
      %add3A_157 = arith.constant 8192 : i32
      %add3A_158 = arith.addi %add3A_157, %mul3A_2 : i32
      %mul3A_159 = arith.constant 8 : i32
      %mul3A_160 = arith.muli %add3A_50, %mul3A_159 : i32
      %add3A_161 = arith.addi %add3A_158, %mul3A_160 : i32
      %mul3A_162 = arith.constant 2048 : i32
      %mul3A_163 = arith.muli %add3A_161, %mul3A_162 : i32
      %dma_start3A_164 = tpu.memref_slice %arg4[%mul3A_163] : memref<33554432xf32, #tpu.memory_space<hbm>> -> memref<16384xf32, #tpu.memory_space<hbm>>
      %dma_start3A_165 = tpu.memref_slice %arg4[%mul3A_163] : memref<33554432xf32, #tpu.memory_space<hbm>> -> memref<16384xf32, #tpu.memory_space<hbm>>
      tpu.enqueue_dma source(%arg9 : memref<16384xf32, #tpu.memory_space<vmem>>) target(%dma_start3A_165 : memref<16384xf32, #tpu.memory_space<hbm>>) target_semaphore(%arg15 : memref<!tpu.dma_semaphore, #tpu.memory_space<semaphore_mem>>)
      %add3A_166 = arith.constant 1 : i32
      %add3A_167 = arith.addi %add3A_50, %add3A_166 : i32
      %lt3A_168 = arith.constant 16 : i32
      %lt3A_169 = arith.cmpi slt, %add3A_167, %lt3A_168 : i32
      %convert_element_type3A_170 = arith.extui %lt3A_169 : i1 to i32
      %cond3A_171 = arith.constant 0 : i32
      %cond3A_172 = arith.cmpi ne, %convert_element_type3A_170, %cond3A_171 : i32
      scf.if %cond3A_172 {
        %add3A_381 = arith.constant 1 : i32
        %add3A_382 = arith.addi %add3A_50, %add3A_381 : i32
        %add3A_383 = arith.constant 0 : i32
        %add3A_384 = arith.addi %add3A_383, %mul3A_2 : i32
        %mul3A_385 = arith.constant 8 : i32
        %mul3A_386 = arith.muli %add3A_382, %mul3A_385 : i32
        %add3A_387 = arith.addi %add3A_384, %mul3A_386 : i32
        %mul3A_388 = arith.constant 2048 : i32
        %mul3A_389 = arith.muli %add3A_387, %mul3A_388 : i32
        %dma_start3A_390 = tpu.memref_slice %arg2[%mul3A_389] : memref<33554432xf32, #tpu.memory_space<hbm>> -> memref<16384xf32, #tpu.memory_space<hbm>>
        %dma_start3A_391 = tpu.memref_slice %arg2[%mul3A_389] : memref<33554432xf32, #tpu.memory_space<hbm>> -> memref<16384xf32, #tpu.memory_space<hbm>>
        tpu.enqueue_dma source(%dma_start3A_391 : memref<16384xf32, #tpu.memory_space<hbm>>) target(%arg7 : memref<16384xf32, #tpu.memory_space<vmem>>) target_semaphore(%arg13 : memref<!tpu.dma_semaphore, #tpu.memory_space<semaphore_mem>>)
      } else {
      }
      %add3A_173 = arith.constant 12288 : i32
      %add3A_174 = arith.addi %add3A_173, %mul3A_2 : i32
      %mul3A_175 = arith.constant 8 : i32
      %mul3A_176 = arith.muli %add3A_50, %mul3A_175 : i32
      %add3A_177 = arith.addi %add3A_174, %mul3A_176 : i32
      %mul3A_178 = arith.constant 2048 : i32
      %mul3A_179 = arith.muli %add3A_177, %mul3A_178 : i32
      %dma_wait3A_180 = tpu.memref_slice %arg2[%mul3A_179] : memref<33554432xf32, #tpu.memory_space<hbm>> -> memref<16384xf32, #tpu.memory_space<hbm>>
      %dma_wait3A_181 = tpu.memref_slice %arg2[%mul3A_179] : memref<33554432xf32, #tpu.memory_space<hbm>> -> memref<16384xf32, #tpu.memory_space<hbm>>
      tpu.wait_dma2 semaphore(%arg14 : memref<!tpu.dma_semaphore, #tpu.memory_space<semaphore_mem>>) src(%dma_wait3A_181 : memref<16384xf32, #tpu.memory_space<hbm>>) dst(%arg8 : memref<16384xf32, #tpu.memory_space<vmem>>)
      %eq3A_182 = arith.constant 0 : i32
      %eq3A_183 = arith.cmpi eq, %add3A_50, %eq3A_182 : i32
      %and3A_184 = arith.constant false
      %and3A_185 = arith.andi %eq3A_183, %and3A_184 : i1
      %not3A_186 = arith.constant true
      %not3A_187 = arith.xori %and3A_185, %not3A_186 : i1
      %convert_element_type3A_188 = arith.extui %not3A_187 : i1 to i32
      %cond3A_189 = arith.constant 0 : i32
      %cond3A_190 = arith.cmpi ne, %convert_element_type3A_188, %cond3A_189 : i32
      scf.if %cond3A_190 {
        %add3A_381 = arith.constant 4096 : i32
        %add3A_382 = arith.addi %add3A_381, %mul3A_2 : i32
        %mul3A_383 = arith.constant 8 : i32
        %mul3A_384 = arith.muli %add3A_50, %mul3A_383 : i32
        %add3A_385 = arith.addi %add3A_382, %mul3A_384 : i32
        %mul3A_386 = arith.constant 2048 : i32
        %mul3A_387 = arith.muli %add3A_385, %mul3A_386 : i32
        %dma_wait3A_388 = tpu.memref_slice %arg4[%mul3A_387] : memref<33554432xf32, #tpu.memory_space<hbm>> -> memref<16384xf32, #tpu.memory_space<hbm>>
        %dma_wait3A_389 = tpu.memref_slice %arg4[%mul3A_387] : memref<33554432xf32, #tpu.memory_space<hbm>> -> memref<16384xf32, #tpu.memory_space<hbm>>
        tpu.wait_dma2 semaphore(%arg16 : memref<!tpu.dma_semaphore, #tpu.memory_space<semaphore_mem>>) src(%arg10 : memref<16384xf32, #tpu.memory_space<vmem>>) dst(%dma_wait3A_389 : memref<16384xf32, #tpu.memory_space<hbm>>)
      } else {
      }
      %parallel_loop3A_191 = arith.constant 0 : i32
      %parallel_loop3A_192 = arith.constant 1024 : i32
      %parallel_loop3A_193 = arith.constant 1 : i32
      scf.for %parallel_loop3A_381 = %parallel_loop3A_191 to %parallel_loop3A_192 step %parallel_loop3A_193  : i32 {
        %parallel_loop3A_382 = arith.constant 16 : i32
        %parallel_loop3A_383 = arith.muli %parallel_loop3A_381, %parallel_loop3A_382 : i32
        %parallel_loop3A_384 = arith.index_cast %parallel_loop3A_383 : i32 to index
        %parallel_loop3A_385 = tpu.vector_load %arg8[%parallel_loop3A_384] {strides = array<i32>} : memref<16384xf32, #tpu.memory_space<vmem>>, vector<16xf32>,
        %parallel_loop3A_386 = vector.shape_cast %parallel_loop3A_385 : vector<16xf32> to vector<16xf32>
        %parallel_loop3A_387 = arith.index_cast %parallel_loop3A_383 : i32 to index
        %parallel_loop3A_388 = tpu.vector_load %arg5[%parallel_loop3A_387] {strides = array<i32>} : memref<16384xf32, #tpu.memory_space<vmem>>, vector<16xf32>,
        %parallel_loop3A_389 = vector.shape_cast %parallel_loop3A_388 : vector<16xf32> to vector<16xf32>
        %parallel_loop3A_390 = arith.addf %parallel_loop3A_386, %parallel_loop3A_389 : vector<16xf32>
        %parallel_loop3A_391 = arith.index_cast %parallel_loop3A_383 : i32 to index
        %parallel_loop3A_392 = tpu.vector_load %arg10[%parallel_loop3A_391] {strides = array<i32>} : memref<16384xf32, #tpu.memory_space<vmem>>, vector<16xf32>,
        %parallel_loop3A_393 = vector.shape_cast %parallel_loop3A_392 : vector<16xf32> to vector<16xf32>
        %parallel_loop3A_394 = vector.shape_cast %parallel_loop3A_390 : vector<16xf32> to vector<16xf32>
        tpu.vector_store %arg10[%parallel_loop3A_391], %parallel_loop3A_394 {strides = array<i32>} : memref<16384xf32, #tpu.memory_space<vmem>>, vector<16xf32>,
      } {sc.loop_unroll_factor = 8 : i64, sc.parallel_access}
      %add3A_194 = arith.constant 12288 : i32
      %add3A_195 = arith.addi %add3A_194, %mul3A_2 : i32
      %mul3A_196 = arith.constant 8 : i32
      %mul3A_197 = arith.muli %add3A_50, %mul3A_196 : i32
      %add3A_198 = arith.addi %add3A_195, %mul3A_197 : i32
      %mul3A_199 = arith.constant 2048 : i32
      %mul3A_200 = arith.muli %add3A_198, %mul3A_199 : i32
      %dma_start3A_201 = tpu.memref_slice %arg4[%mul3A_200] : memref<33554432xf32, #tpu.memory_space<hbm>> -> memref<16384xf32, #tpu.memory_space<hbm>>
      %dma_start3A_202 = tpu.memref_slice %arg4[%mul3A_200] : memref<33554432xf32, #tpu.memory_space<hbm>> -> memref<16384xf32, #tpu.memory_space<hbm>>
      tpu.enqueue_dma source(%arg10 : memref<16384xf32, #tpu.memory_space<vmem>>) target(%dma_start3A_202 : memref<16384xf32, #tpu.memory_space<hbm>>) target_semaphore(%arg16 : memref<!tpu.dma_semaphore, #tpu.memory_space<semaphore_mem>>)
      %add3A_203 = arith.constant 1 : i32
      %add3A_204 = arith.addi %add3A_50, %add3A_203 : i32
      %lt3A_205 = arith.constant 16 : i32
      %lt3A_206 = arith.cmpi slt, %add3A_204, %lt3A_205 : i32
      %convert_element_type3A_207 = arith.extui %lt3A_206 : i1 to i32
      %cond3A_208 = arith.constant 0 : i32
      %cond3A_209 = arith.cmpi ne, %convert_element_type3A_207, %cond3A_208 : i32
      scf.if %cond3A_209 {
        %add3A_381 = arith.constant 1 : i32
        %add3A_382 = arith.addi %add3A_50, %add3A_381 : i32
        %add3A_383 = arith.constant 4096 : i32
        %add3A_384 = arith.addi %add3A_383, %mul3A_2 : i32
        %mul3A_385 = arith.constant 8 : i32
        %mul3A_386 = arith.muli %add3A_382, %mul3A_385 : i32
        %add3A_387 = arith.addi %add3A_384, %mul3A_386 : i32
        %mul3A_388 = arith.constant 2048 : i32
        %mul3A_389 = arith.muli %add3A_387, %mul3A_388 : i32
        %dma_start3A_390 = tpu.memref_slice %arg2[%mul3A_389] : memref<33554432xf32, #tpu.memory_space<hbm>> -> memref<16384xf32, #tpu.memory_space<hbm>>
        %dma_start3A_391 = tpu.memref_slice %arg2[%mul3A_389] : memref<33554432xf32, #tpu.memory_space<hbm>> -> memref<16384xf32, #tpu.memory_space<hbm>>
        tpu.enqueue_dma source(%dma_start3A_391 : memref<16384xf32, #tpu.memory_space<hbm>>) target(%arg8 : memref<16384xf32, #tpu.memory_space<vmem>>) target_semaphore(%arg14 : memref<!tpu.dma_semaphore, #tpu.memory_space<semaphore_mem>>)
      } else {
      }
      %mul3A_210 = arith.constant 2 : i32
      %mul3A_211 = arith.muli %mul3A_210, %scan3A_45 : i32
      %add3A_212 = arith.constant 1 : i32
      %add3A_213 = arith.addi %mul3A_211, %add3A_212 : i32
      %mul3A_214 = arith.constant 8 : i32
      %mul3A_215 = arith.muli %add3A_213, %mul3A_214 : i32
      %add3A_216 = arith.addi %mul3A_2, %mul3A_215 : i32
      %mul3A_217 = arith.constant 2048 : i32
      %mul3A_218 = arith.muli %add3A_216, %mul3A_217 : i32
      %dma_wait3A_219 = tpu.memref_slice %arg3[%mul3A_218] : memref<8388608xf32, #tpu.memory_space<hbm>> -> memref<16384xf32, #tpu.memory_space<hbm>>
      %dma_wait3A_220 = tpu.memref_slice %arg3[%mul3A_218] : memref<8388608xf32, #tpu.memory_space<hbm>> -> memref<16384xf32, #tpu.memory_space<hbm>>
      tpu.wait_dma2 semaphore(%arg12 : memref<!tpu.dma_semaphore, #tpu.memory_space<semaphore_mem>>) src(%dma_wait3A_220 : memref<16384xf32, #tpu.memory_space<hbm>>) dst(%arg6 : memref<16384xf32, #tpu.memory_space<vmem>>)
      %add3A_221 = arith.constant 0 : i32
      %add3A_222 = arith.addi %add3A_221, %mul3A_2 : i32
      %mul3A_223 = arith.constant 8 : i32
      %mul3A_224 = arith.muli %add3A_213, %mul3A_223 : i32
      %add3A_225 = arith.addi %add3A_222, %mul3A_224 : i32
      %mul3A_226 = arith.constant 2048 : i32
      %mul3A_227 = arith.muli %add3A_225, %mul3A_226 : i32
      %dma_wait3A_228 = tpu.memref_slice %arg2[%mul3A_227] : memref<33554432xf32, #tpu.memory_space<hbm>> -> memref<16384xf32, #tpu.memory_space<hbm>>
      %dma_wait3A_229 = tpu.memref_slice %arg2[%mul3A_227] : memref<33554432xf32, #tpu.memory_space<hbm>> -> memref<16384xf32, #tpu.memory_space<hbm>>
      tpu.wait_dma2 semaphore(%arg13 : memref<!tpu.dma_semaphore, #tpu.memory_space<semaphore_mem>>) src(%dma_wait3A_229 : memref<16384xf32, #tpu.memory_space<hbm>>) dst(%arg7 : memref<16384xf32, #tpu.memory_space<vmem>>)
      %eq3A_230 = arith.constant 0 : i32
      %eq3A_231 = arith.cmpi eq, %add3A_213, %eq3A_230 : i32
      %and3A_232 = arith.constant true
      %and3A_233 = arith.andi %eq3A_231, %and3A_232 : i1
      %not3A_234 = arith.constant true
      %not3A_235 = arith.xori %and3A_233, %not3A_234 : i1
      %convert_element_type3A_236 = arith.extui %not3A_235 : i1 to i32
      %cond3A_237 = arith.constant 0 : i32
      %cond3A_238 = arith.cmpi ne, %convert_element_type3A_236, %cond3A_237 : i32
      scf.if %cond3A_238 {
        %sub3A = arith.constant 1 : i32
        %sub3A_381 = arith.subi %add3A_213, %sub3A : i32
        %add3A_382 = arith.constant 8192 : i32
        %add3A_383 = arith.addi %add3A_382, %mul3A_2 : i32
        %mul3A_384 = arith.constant 8 : i32
        %mul3A_385 = arith.muli %sub3A_381, %mul3A_384 : i32
        %add3A_386 = arith.addi %add3A_383, %mul3A_385 : i32
        %mul3A_387 = arith.constant 2048 : i32
        %mul3A_388 = arith.muli %add3A_386, %mul3A_387 : i32
        %dma_wait3A_389 = tpu.memref_slice %arg4[%mul3A_388] : memref<33554432xf32, #tpu.memory_space<hbm>> -> memref<16384xf32, #tpu.memory_space<hbm>>
        %dma_wait3A_390 = tpu.memref_slice %arg4[%mul3A_388] : memref<33554432xf32, #tpu.memory_space<hbm>> -> memref<16384xf32, #tpu.memory_space<hbm>>
        tpu.wait_dma2 semaphore(%arg15 : memref<!tpu.dma_semaphore, #tpu.memory_space<semaphore_mem>>) src(%arg9 : memref<16384xf32, #tpu.memory_space<vmem>>) dst(%dma_wait3A_390 : memref<16384xf32, #tpu.memory_space<hbm>>)
      } else {
      }
      %parallel_loop3A_239 = arith.constant 0 : i32
      %parallel_loop3A_240 = arith.constant 1024 : i32
      %parallel_loop3A_241 = arith.constant 1 : i32
      scf.for %parallel_loop3A_381 = %parallel_loop3A_239 to %parallel_loop3A_240 step %parallel_loop3A_241  : i32 {
        %parallel_loop3A_382 = arith.constant 16 : i32
        %parallel_loop3A_383 = arith.muli %parallel_loop3A_381, %parallel_loop3A_382 : i32
        %parallel_loop3A_384 = arith.index_cast %parallel_loop3A_383 : i32 to index
        %parallel_loop3A_385 = tpu.vector_load %arg7[%parallel_loop3A_384] {strides = array<i32>} : memref<16384xf32, #tpu.memory_space<vmem>>, vector<16xf32>,
        %parallel_loop3A_386 = vector.shape_cast %parallel_loop3A_385 : vector<16xf32> to vector<16xf32>
        %parallel_loop3A_387 = arith.index_cast %parallel_loop3A_383 : i32 to index
        %parallel_loop3A_388 = tpu.vector_load %arg6[%parallel_loop3A_387] {strides = array<i32>} : memref<16384xf32, #tpu.memory_space<vmem>>, vector<16xf32>,
        %parallel_loop3A_389 = vector.shape_cast %parallel_loop3A_388 : vector<16xf32> to vector<16xf32>
        %parallel_loop3A_390 = arith.addf %parallel_loop3A_386, %parallel_loop3A_389 : vector<16xf32>
        %parallel_loop3A_391 = arith.index_cast %parallel_loop3A_383 : i32 to index
        %parallel_loop3A_392 = tpu.vector_load %arg9[%parallel_loop3A_391] {strides = array<i32>} : memref<16384xf32, #tpu.memory_space<vmem>>, vector<16xf32>,
        %parallel_loop3A_393 = vector.shape_cast %parallel_loop3A_392 : vector<16xf32> to vector<16xf32>
        %parallel_loop3A_394 = vector.shape_cast %parallel_loop3A_390 : vector<16xf32> to vector<16xf32>
        tpu.vector_store %arg9[%parallel_loop3A_391], %parallel_loop3A_394 {strides = array<i32>} : memref<16384xf32, #tpu.memory_space<vmem>>, vector<16xf32>,
      } {sc.loop_unroll_factor = 8 : i64, sc.parallel_access}
      %add3A_242 = arith.constant 0 : i32
      %add3A_243 = arith.addi %add3A_242, %mul3A_2 : i32
      %mul3A_244 = arith.constant 8 : i32
      %mul3A_245 = arith.muli %add3A_213, %mul3A_244 : i32
      %add3A_246 = arith.addi %add3A_243, %mul3A_245 : i32
      %mul3A_247 = arith.constant 2048 : i32
      %mul3A_248 = arith.muli %add3A_246, %mul3A_247 : i32
      %dma_start3A_249 = tpu.memref_slice %arg4[%mul3A_248] : memref<33554432xf32, #tpu.memory_space<hbm>> -> memref<16384xf32, #tpu.memory_space<hbm>>
      %dma_start3A_250 = tpu.memref_slice %arg4[%mul3A_248] : memref<33554432xf32, #tpu.memory_space<hbm>> -> memref<16384xf32, #tpu.memory_space<hbm>>
      tpu.enqueue_dma source(%arg9 : memref<16384xf32, #tpu.memory_space<vmem>>) target(%dma_start3A_250 : memref<16384xf32, #tpu.memory_space<hbm>>) target_semaphore(%arg15 : memref<!tpu.dma_semaphore, #tpu.memory_space<semaphore_mem>>)
      %add3A_251 = arith.constant 8192 : i32
      %add3A_252 = arith.addi %add3A_251, %mul3A_2 : i32
      %mul3A_253 = arith.constant 8 : i32
      %mul3A_254 = arith.muli %add3A_213, %mul3A_253 : i32
      %add3A_255 = arith.addi %add3A_252, %mul3A_254 : i32
      %mul3A_256 = arith.constant 2048 : i32
      %mul3A_257 = arith.muli %add3A_255, %mul3A_256 : i32
      %dma_start3A_258 = tpu.memref_slice %arg2[%mul3A_257] : memref<33554432xf32, #tpu.memory_space<hbm>> -> memref<16384xf32, #tpu.memory_space<hbm>>
      %dma_start3A_259 = tpu.memref_slice %arg2[%mul3A_257] : memref<33554432xf32, #tpu.memory_space<hbm>> -> memref<16384xf32, #tpu.memory_space<hbm>>
      tpu.enqueue_dma source(%dma_start3A_259 : memref<16384xf32, #tpu.memory_space<hbm>>) target(%arg7 : memref<16384xf32, #tpu.memory_space<vmem>>) target_semaphore(%arg13 : memref<!tpu.dma_semaphore, #tpu.memory_space<semaphore_mem>>)
      %add3A_260 = arith.constant 1 : i32
      %add3A_261 = arith.addi %add3A_213, %add3A_260 : i32
      %lt3A_262 = arith.constant 16 : i32
      %lt3A_263 = arith.cmpi slt, %add3A_261, %lt3A_262 : i32
      %convert_element_type3A_264 = arith.extui %lt3A_263 : i1 to i32
      %cond3A_265 = arith.constant 0 : i32
      %cond3A_266 = arith.cmpi ne, %convert_element_type3A_264, %cond3A_265 : i32
      scf.if %cond3A_266 {
        %add3A_381 = arith.constant 1 : i32
        %add3A_382 = arith.addi %add3A_213, %add3A_381 : i32
        %mul3A_383 = arith.constant 8 : i32
        %mul3A_384 = arith.muli %add3A_382, %mul3A_383 : i32
        %add3A_385 = arith.addi %mul3A_2, %mul3A_384 : i32
        %mul3A_386 = arith.constant 2048 : i32
        %mul3A_387 = arith.muli %add3A_385, %mul3A_386 : i32
        %dma_start3A_388 = tpu.memref_slice %arg3[%mul3A_387] : memref<8388608xf32, #tpu.memory_space<hbm>> -> memref<16384xf32, #tpu.memory_space<hbm>>
        %dma_start3A_389 = tpu.memref_slice %arg3[%mul3A_387] : memref<8388608xf32, #tpu.memory_space<hbm>> -> memref<16384xf32, #tpu.memory_space<hbm>>
        tpu.enqueue_dma source(%dma_start3A_389 : memref<16384xf32, #tpu.memory_space<hbm>>) target(%arg5 : memref<16384xf32, #tpu.memory_space<vmem>>) target_semaphore(%arg11 : memref<!tpu.dma_semaphore, #tpu.memory_space<semaphore_mem>>)
      } else {
      }
      %add3A_267 = arith.constant 4096 : i32
      %add3A_268 = arith.addi %add3A_267, %mul3A_2 : i32
      %mul3A_269 = arith.constant 8 : i32
      %mul3A_270 = arith.muli %add3A_213, %mul3A_269 : i32
      %add3A_271 = arith.addi %add3A_268, %mul3A_270 : i32
      %mul3A_272 = arith.constant 2048 : i32
      %mul3A_273 = arith.muli %add3A_271, %mul3A_272 : i32
      %dma_wait3A_274 = tpu.memref_slice %arg2[%mul3A_273] : memref<33554432xf32, #tpu.memory_space<hbm>> -> memref<16384xf32, #tpu.memory_space<hbm>>
      %dma_wait3A_275 = tpu.memref_slice %arg2[%mul3A_273] : memref<33554432xf32, #tpu.memory_space<hbm>> -> memref<16384xf32, #tpu.memory_space<hbm>>
      tpu.wait_dma2 semaphore(%arg14 : memref<!tpu.dma_semaphore, #tpu.memory_space<semaphore_mem>>) src(%dma_wait3A_275 : memref<16384xf32, #tpu.memory_space<hbm>>) dst(%arg8 : memref<16384xf32, #tpu.memory_space<vmem>>)
      %eq3A_276 = arith.constant 0 : i32
      %eq3A_277 = arith.cmpi eq, %add3A_213, %eq3A_276 : i32
      %and3A_278 = arith.constant true
      %and3A_279 = arith.andi %eq3A_277, %and3A_278 : i1
      %not3A_280 = arith.constant true
      %not3A_281 = arith.xori %and3A_279, %not3A_280 : i1
      %convert_element_type3A_282 = arith.extui %not3A_281 : i1 to i32
      %cond3A_283 = arith.constant 0 : i32
      %cond3A_284 = arith.cmpi ne, %convert_element_type3A_282, %cond3A_283 : i32
      scf.if %cond3A_284 {
        %sub3A = arith.constant 1 : i32
        %sub3A_381 = arith.subi %add3A_213, %sub3A : i32
        %add3A_382 = arith.constant 12288 : i32
        %add3A_383 = arith.addi %add3A_382, %mul3A_2 : i32
        %mul3A_384 = arith.constant 8 : i32
        %mul3A_385 = arith.muli %sub3A_381, %mul3A_384 : i32
        %add3A_386 = arith.addi %add3A_383, %mul3A_385 : i32
        %mul3A_387 = arith.constant 2048 : i32
        %mul3A_388 = arith.muli %add3A_386, %mul3A_387 : i32
        %dma_wait3A_389 = tpu.memref_slice %arg4[%mul3A_388] : memref<33554432xf32, #tpu.memory_space<hbm>> -> memref<16384xf32, #tpu.memory_space<hbm>>
        %dma_wait3A_390 = tpu.memref_slice %arg4[%mul3A_388] : memref<33554432xf32, #tpu.memory_space<hbm>> -> memref<16384xf32, #tpu.memory_space<hbm>>
        tpu.wait_dma2 semaphore(%arg16 : memref<!tpu.dma_semaphore, #tpu.memory_space<semaphore_mem>>) src(%arg10 : memref<16384xf32, #tpu.memory_space<vmem>>) dst(%dma_wait3A_390 : memref<16384xf32, #tpu.memory_space<hbm>>)
      } else {
      }
      %parallel_loop3A_285 = arith.constant 0 : i32
      %parallel_loop3A_286 = arith.constant 1024 : i32
      %parallel_loop3A_287 = arith.constant 1 : i32
      scf.for %parallel_loop3A_381 = %parallel_loop3A_285 to %parallel_loop3A_286 step %parallel_loop3A_287  : i32 {
        %parallel_loop3A_382 = arith.constant 16 : i32
        %parallel_loop3A_383 = arith.muli %parallel_loop3A_381, %parallel_loop3A_382 : i32
        %parallel_loop3A_384 = arith.index_cast %parallel_loop3A_383 : i32 to index
        %parallel_loop3A_385 = tpu.vector_load %arg8[%parallel_loop3A_384] {strides = array<i32>} : memref<16384xf32, #tpu.memory_space<vmem>>, vector<16xf32>,
        %parallel_loop3A_386 = vector.shape_cast %parallel_loop3A_385 : vector<16xf32> to vector<16xf32>
        %parallel_loop3A_387 = arith.index_cast %parallel_loop3A_383 : i32 to index
        %parallel_loop3A_388 = tpu.vector_load %arg6[%parallel_loop3A_387] {strides = array<i32>} : memref<16384xf32, #tpu.memory_space<vmem>>, vector<16xf32>,
        %parallel_loop3A_389 = vector.shape_cast %parallel_loop3A_388 : vector<16xf32> to vector<16xf32>
        %parallel_loop3A_390 = arith.addf %parallel_loop3A_386, %parallel_loop3A_389 : vector<16xf32>
        %parallel_loop3A_391 = arith.index_cast %parallel_loop3A_383 : i32 to index
        %parallel_loop3A_392 = tpu.vector_load %arg10[%parallel_loop3A_391] {strides = array<i32>} : memref<16384xf32, #tpu.memory_space<vmem>>, vector<16xf32>,
        %parallel_loop3A_393 = vector.shape_cast %parallel_loop3A_392 : vector<16xf32> to vector<16xf32>
        %parallel_loop3A_394 = vector.shape_cast %parallel_loop3A_390 : vector<16xf32> to vector<16xf32>
        tpu.vector_store %arg10[%parallel_loop3A_391], %parallel_loop3A_394 {strides = array<i32>} : memref<16384xf32, #tpu.memory_space<vmem>>, vector<16xf32>,
      } {sc.loop_unroll_factor = 8 : i64, sc.parallel_access}
      %add3A_288 = arith.constant 4096 : i32
      %add3A_289 = arith.addi %add3A_288, %mul3A_2 : i32
      %mul3A_290 = arith.constant 8 : i32
      %mul3A_291 = arith.muli %add3A_213, %mul3A_290 : i32
      %add3A_292 = arith.addi %add3A_289, %mul3A_291 : i32
      %mul3A_293 = arith.constant 2048 : i32
      %mul3A_294 = arith.muli %add3A_292, %mul3A_293 : i32
      %dma_start3A_295 = tpu.memref_slice %arg4[%mul3A_294] : memref<33554432xf32, #tpu.memory_space<hbm>> -> memref<16384xf32, #tpu.memory_space<hbm>>
      %dma_start3A_296 = tpu.memref_slice %arg4[%mul3A_294] : memref<33554432xf32, #tpu.memory_space<hbm>> -> memref<16384xf32, #tpu.memory_space<hbm>>
      tpu.enqueue_dma source(%arg10 : memref<16384xf32, #tpu.memory_space<vmem>>) target(%dma_start3A_296 : memref<16384xf32, #tpu.memory_space<hbm>>) target_semaphore(%arg16 : memref<!tpu.dma_semaphore, #tpu.memory_space<semaphore_mem>>)
      %add3A_297 = arith.constant 12288 : i32
      %add3A_298 = arith.addi %add3A_297, %mul3A_2 : i32
      %mul3A_299 = arith.constant 8 : i32
      %mul3A_300 = arith.muli %add3A_213, %mul3A_299 : i32
      %add3A_301 = arith.addi %add3A_298, %mul3A_300 : i32
      %mul3A_302 = arith.constant 2048 : i32
      %mul3A_303 = arith.muli %add3A_301, %mul3A_302 : i32
      %dma_start3A_304 = tpu.memref_slice %arg2[%mul3A_303] : memref<33554432xf32, #tpu.memory_space<hbm>> -> memref<16384xf32, #tpu.memory_space<hbm>>
      %dma_start3A_305 = tpu.memref_slice %arg2[%mul3A_303] : memref<33554432xf32, #tpu.memory_space<hbm>> -> memref<16384xf32, #tpu.memory_space<hbm>>
      tpu.enqueue_dma source(%dma_start3A_305 : memref<16384xf32, #tpu.memory_space<hbm>>) target(%arg8 : memref<16384xf32, #tpu.memory_space<vmem>>) target_semaphore(%arg14 : memref<!tpu.dma_semaphore, #tpu.memory_space<semaphore_mem>>)
      %add3A_306 = arith.constant 8192 : i32
      %add3A_307 = arith.addi %add3A_306, %mul3A_2 : i32
      %mul3A_308 = arith.constant 8 : i32
      %mul3A_309 = arith.muli %add3A_213, %mul3A_308 : i32
      %add3A_310 = arith.addi %add3A_307, %mul3A_309 : i32
      %mul3A_311 = arith.constant 2048 : i32
      %mul3A_312 = arith.muli %add3A_310, %mul3A_311 : i32
      %dma_wait3A_313 = tpu.memref_slice %arg2[%mul3A_312] : memref<33554432xf32, #tpu.memory_space<hbm>> -> memref<16384xf32, #tpu.memory_space<hbm>>
      %dma_wait3A_314 = tpu.memref_slice %arg2[%mul3A_312] : memref<33554432xf32, #tpu.memory_space<hbm>> -> memref<16384xf32, #tpu.memory_space<hbm>>
      tpu.wait_dma2 semaphore(%arg13 : memref<!tpu.dma_semaphore, #tpu.memory_space<semaphore_mem>>) src(%dma_wait3A_314 : memref<16384xf32, #tpu.memory_space<hbm>>) dst(%arg7 : memref<16384xf32, #tpu.memory_space<vmem>>)
      %eq3A_315 = arith.constant 0 : i32
      %eq3A_316 = arith.cmpi eq, %add3A_213, %eq3A_315 : i32
      %and3A_317 = arith.constant false
      %and3A_318 = arith.andi %eq3A_316, %and3A_317 : i1
      %not3A_319 = arith.constant true
      %not3A_320 = arith.xori %and3A_318, %not3A_319 : i1
      %convert_element_type3A_321 = arith.extui %not3A_320 : i1 to i32
      %cond3A_322 = arith.constant 0 : i32
      %cond3A_323 = arith.cmpi ne, %convert_element_type3A_321, %cond3A_322 : i32
      scf.if %cond3A_323 {
        %add3A_381 = arith.constant 0 : i32
        %add3A_382 = arith.addi %add3A_381, %mul3A_2 : i32
        %mul3A_383 = arith.constant 8 : i32
        %mul3A_384 = arith.muli %add3A_213, %mul3A_383 : i32
        %add3A_385 = arith.addi %add3A_382, %mul3A_384 : i32
        %mul3A_386 = arith.constant 2048 : i32
        %mul3A_387 = arith.muli %add3A_385, %mul3A_386 : i32
        %dma_wait3A_388 = tpu.memref_slice %arg4[%mul3A_387] : memref<33554432xf32, #tpu.memory_space<hbm>> -> memref<16384xf32, #tpu.memory_space<hbm>>
        %dma_wait3A_389 = tpu.memref_slice %arg4[%mul3A_387] : memref<33554432xf32, #tpu.memory_space<hbm>> -> memref<16384xf32, #tpu.memory_space<hbm>>
        tpu.wait_dma2 semaphore(%arg15 : memref<!tpu.dma_semaphore, #tpu.memory_space<semaphore_mem>>) src(%arg9 : memref<16384xf32, #tpu.memory_space<vmem>>) dst(%dma_wait3A_389 : memref<16384xf32, #tpu.memory_space<hbm>>)
      } else {
      }
      %parallel_loop3A_324 = arith.constant 0 : i32
      %parallel_loop3A_325 = arith.constant 1024 : i32
      %parallel_loop3A_326 = arith.constant 1 : i32
      scf.for %parallel_loop3A_381 = %parallel_loop3A_324 to %parallel_loop3A_325 step %parallel_loop3A_326  : i32 {
        %parallel_loop3A_382 = arith.constant 16 : i32
        %parallel_loop3A_383 = arith.muli %parallel_loop3A_381, %parallel_loop3A_382 : i32
        %parallel_loop3A_384 = arith.index_cast %parallel_loop3A_383 : i32 to index
        %parallel_loop3A_385 = tpu.vector_load %arg7[%parallel_loop3A_384] {strides = array<i32>} : memref<16384xf32, #tpu.memory_space<vmem>>, vector<16xf32>,
        %parallel_loop3A_386 = vector.shape_cast %parallel_loop3A_385 : vector<16xf32> to vector<16xf32>
        %parallel_loop3A_387 = arith.index_cast %parallel_loop3A_383 : i32 to index
        %parallel_loop3A_388 = tpu.vector_load %arg6[%parallel_loop3A_387] {strides = array<i32>} : memref<16384xf32, #tpu.memory_space<vmem>>, vector<16xf32>,
        %parallel_loop3A_389 = vector.shape_cast %parallel_loop3A_388 : vector<16xf32> to vector<16xf32>
        %parallel_loop3A_390 = arith.addf %parallel_loop3A_386, %parallel_loop3A_389 : vector<16xf32>
        %parallel_loop3A_391 = arith.index_cast %parallel_loop3A_383 : i32 to index
        %parallel_loop3A_392 = tpu.vector_load %arg9[%parallel_loop3A_391] {strides = array<i32>} : memref<16384xf32, #tpu.memory_space<vmem>>, vector<16xf32>,
        %parallel_loop3A_393 = vector.shape_cast %parallel_loop3A_392 : vector<16xf32> to vector<16xf32>
        %parallel_loop3A_394 = vector.shape_cast %parallel_loop3A_390 : vector<16xf32> to vector<16xf32>
        tpu.vector_store %arg9[%parallel_loop3A_391], %parallel_loop3A_394 {strides = array<i32>} : memref<16384xf32, #tpu.memory_space<vmem>>, vector<16xf32>,
      } {sc.loop_unroll_factor = 8 : i64, sc.parallel_access}
      %add3A_327 = arith.constant 8192 : i32
      %add3A_328 = arith.addi %add3A_327, %mul3A_2 : i32
      %mul3A_329 = arith.constant 8 : i32
      %mul3A_330 = arith.muli %add3A_213, %mul3A_329 : i32
      %add3A_331 = arith.addi %add3A_328, %mul3A_330 : i32
      %mul3A_332 = arith.constant 2048 : i32
      %mul3A_333 = arith.muli %add3A_331, %mul3A_332 : i32
      %dma_start3A_334 = tpu.memref_slice %arg4[%mul3A_333] : memref<33554432xf32, #tpu.memory_space<hbm>> -> memref<16384xf32, #tpu.memory_space<hbm>>
      %dma_start3A_335 = tpu.memref_slice %arg4[%mul3A_333] : memref<33554432xf32, #tpu.memory_space<hbm>> -> memref<16384xf32, #tpu.memory_space<hbm>>
      tpu.enqueue_dma source(%arg9 : memref<16384xf32, #tpu.memory_space<vmem>>) target(%dma_start3A_335 : memref<16384xf32, #tpu.memory_space<hbm>>) target_semaphore(%arg15 : memref<!tpu.dma_semaphore, #tpu.memory_space<semaphore_mem>>)
      %add3A_336 = arith.constant 1 : i32
      %add3A_337 = arith.addi %add3A_213, %add3A_336 : i32
      %lt3A_338 = arith.constant 16 : i32
      %lt3A_339 = arith.cmpi slt, %add3A_337, %lt3A_338 : i32
      %convert_element_type3A_340 = arith.extui %lt3A_339 : i1 to i32
      %cond3A_341 = arith.constant 0 : i32
      %cond3A_342 = arith.cmpi ne, %convert_element_type3A_340, %cond3A_341 : i32
      scf.if %cond3A_342 {
        %add3A_381 = arith.constant 1 : i32
        %add3A_382 = arith.addi %add3A_213, %add3A_381 : i32
        %add3A_383 = arith.constant 0 : i32
        %add3A_384 = arith.addi %add3A_383, %mul3A_2 : i32
        %mul3A_385 = arith.constant 8 : i32
        %mul3A_386 = arith.muli %add3A_382, %mul3A_385 : i32
        %add3A_387 = arith.addi %add3A_384, %mul3A_386 : i32
        %mul3A_388 = arith.constant 2048 : i32
        %mul3A_389 = arith.muli %add3A_387, %mul3A_388 : i32
        %dma_start3A_390 = tpu.memref_slice %arg2[%mul3A_389] : memref<33554432xf32, #tpu.memory_space<hbm>> -> memref<16384xf32, #tpu.memory_space<hbm>>
        %dma_start3A_391 = tpu.memref_slice %arg2[%mul3A_389] : memref<33554432xf32, #tpu.memory_space<hbm>> -> memref<16384xf32, #tpu.memory_space<hbm>>
        tpu.enqueue_dma source(%dma_start3A_391 : memref<16384xf32, #tpu.memory_space<hbm>>) target(%arg7 : memref<16384xf32, #tpu.memory_space<vmem>>) target_semaphore(%arg13 : memref<!tpu.dma_semaphore, #tpu.memory_space<semaphore_mem>>)
      } else {
      }
      %add3A_343 = arith.constant 12288 : i32
      %add3A_344 = arith.addi %add3A_343, %mul3A_2 : i32
      %mul3A_345 = arith.constant 8 : i32
      %mul3A_346 = arith.muli %add3A_213, %mul3A_345 : i32
      %add3A_347 = arith.addi %add3A_344, %mul3A_346 : i32
      %mul3A_348 = arith.constant 2048 : i32
      %mul3A_349 = arith.muli %add3A_347, %mul3A_348 : i32
      %dma_wait3A_350 = tpu.memref_slice %arg2[%mul3A_349] : memref<33554432xf32, #tpu.memory_space<hbm>> -> memref<16384xf32, #tpu.memory_space<hbm>>
      %dma_wait3A_351 = tpu.memref_slice %arg2[%mul3A_349] : memref<33554432xf32, #tpu.memory_space<hbm>> -> memref<16384xf32, #tpu.memory_space<hbm>>
      tpu.wait_dma2 semaphore(%arg14 : memref<!tpu.dma_semaphore, #tpu.memory_space<semaphore_mem>>) src(%dma_wait3A_351 : memref<16384xf32, #tpu.memory_space<hbm>>) dst(%arg8 : memref<16384xf32, #tpu.memory_space<vmem>>)
      %eq3A_352 = arith.constant 0 : i32
      %eq3A_353 = arith.cmpi eq, %add3A_213, %eq3A_352 : i32
      %and3A_354 = arith.constant false
      %and3A_355 = arith.andi %eq3A_353, %and3A_354 : i1
      %not3A_356 = arith.constant true
      %not3A_357 = arith.xori %and3A_355, %not3A_356 : i1
      %convert_element_type3A_358 = arith.extui %not3A_357 : i1 to i32
      %cond3A_359 = arith.constant 0 : i32
      %cond3A_360 = arith.cmpi ne, %convert_element_type3A_358, %cond3A_359 : i32
      scf.if %cond3A_360 {
        %add3A_381 = arith.constant 4096 : i32
        %add3A_382 = arith.addi %add3A_381, %mul3A_2 : i32
        %mul3A_383 = arith.constant 8 : i32
        %mul3A_384 = arith.muli %add3A_213, %mul3A_383 : i32
        %add3A_385 = arith.addi %add3A_382, %mul3A_384 : i32
        %mul3A_386 = arith.constant 2048 : i32
        %mul3A_387 = arith.muli %add3A_385, %mul3A_386 : i32
        %dma_wait3A_388 = tpu.memref_slice %arg4[%mul3A_387] : memref<33554432xf32, #tpu.memory_space<hbm>> -> memref<16384xf32, #tpu.memory_space<hbm>>
        %dma_wait3A_389 = tpu.memref_slice %arg4[%mul3A_387] : memref<33554432xf32, #tpu.memory_space<hbm>> -> memref<16384xf32, #tpu.memory_space<hbm>>
        tpu.wait_dma2 semaphore(%arg16 : memref<!tpu.dma_semaphore, #tpu.memory_space<semaphore_mem>>) src(%arg10 : memref<16384xf32, #tpu.memory_space<vmem>>) dst(%dma_wait3A_389 : memref<16384xf32, #tpu.memory_space<hbm>>)
      } else {
      }
      %parallel_loop3A_361 = arith.constant 0 : i32
      %parallel_loop3A_362 = arith.constant 1024 : i32
      %parallel_loop3A_363 = arith.constant 1 : i32
      scf.for %parallel_loop3A_381 = %parallel_loop3A_361 to %parallel_loop3A_362 step %parallel_loop3A_363  : i32 {
        %parallel_loop3A_382 = arith.constant 16 : i32
        %parallel_loop3A_383 = arith.muli %parallel_loop3A_381, %parallel_loop3A_382 : i32
        %parallel_loop3A_384 = arith.index_cast %parallel_loop3A_383 : i32 to index
        %parallel_loop3A_385 = tpu.vector_load %arg8[%parallel_loop3A_384] {strides = array<i32>} : memref<16384xf32, #tpu.memory_space<vmem>>, vector<16xf32>,
        %parallel_loop3A_386 = vector.shape_cast %parallel_loop3A_385 : vector<16xf32> to vector<16xf32>
        %parallel_loop3A_387 = arith.index_cast %parallel_loop3A_383 : i32 to index
        %parallel_loop3A_388 = tpu.vector_load %arg6[%parallel_loop3A_387] {strides = array<i32>} : memref<16384xf32, #tpu.memory_space<vmem>>, vector<16xf32>,
        %parallel_loop3A_389 = vector.shape_cast %parallel_loop3A_388 : vector<16xf32> to vector<16xf32>
        %parallel_loop3A_390 = arith.addf %parallel_loop3A_386, %parallel_loop3A_389 : vector<16xf32>
        %parallel_loop3A_391 = arith.index_cast %parallel_loop3A_383 : i32 to index
        %parallel_loop3A_392 = tpu.vector_load %arg10[%parallel_loop3A_391] {strides = array<i32>} : memref<16384xf32, #tpu.memory_space<vmem>>, vector<16xf32>,
        %parallel_loop3A_393 = vector.shape_cast %parallel_loop3A_392 : vector<16xf32> to vector<16xf32>
        %parallel_loop3A_394 = vector.shape_cast %parallel_loop3A_390 : vector<16xf32> to vector<16xf32>
        tpu.vector_store %arg10[%parallel_loop3A_391], %parallel_loop3A_394 {strides = array<i32>} : memref<16384xf32, #tpu.memory_space<vmem>>, vector<16xf32>,
      } {sc.loop_unroll_factor = 8 : i64, sc.parallel_access}
      %add3A_364 = arith.constant 12288 : i32
      %add3A_365 = arith.addi %add3A_364, %mul3A_2 : i32
      %mul3A_366 = arith.constant 8 : i32
      %mul3A_367 = arith.muli %add3A_213, %mul3A_366 : i32
      %add3A_368 = arith.addi %add3A_365, %mul3A_367 : i32
      %mul3A_369 = arith.constant 2048 : i32
      %mul3A_370 = arith.muli %add3A_368, %mul3A_369 : i32
      %dma_start3A_371 = tpu.memref_slice %arg4[%mul3A_370] : memref<33554432xf32, #tpu.memory_space<hbm>> -> memref<16384xf32, #tpu.memory_space<hbm>>
      %dma_start3A_372 = tpu.memref_slice %arg4[%mul3A_370] : memref<33554432xf32, #tpu.memory_space<hbm>> -> memref<16384xf32, #tpu.memory_space<hbm>>
      tpu.enqueue_dma source(%arg10 : memref<16384xf32, #tpu.memory_space<vmem>>) target(%dma_start3A_372 : memref<16384xf32, #tpu.memory_space<hbm>>) target_semaphore(%arg16 : memref<!tpu.dma_semaphore, #tpu.memory_space<semaphore_mem>>)
      %add3A_373 = arith.constant 1 : i32
      %add3A_374 = arith.addi %add3A_213, %add3A_373 : i32
      %lt3A_375 = arith.constant 16 : i32
      %lt3A_376 = arith.cmpi slt, %add3A_374, %lt3A_375 : i32
      %convert_element_type3A_377 = arith.extui %lt3A_376 : i1 to i32
      %cond3A_378 = arith.constant 0 : i32
      %cond3A_379 = arith.cmpi ne, %convert_element_type3A_377, %cond3A_378 : i32
      scf.if %cond3A_379 {
        %add3A_381 = arith.constant 1 : i32
        %add3A_382 = arith.addi %add3A_213, %add3A_381 : i32
        %add3A_383 = arith.constant 4096 : i32
        %add3A_384 = arith.addi %add3A_383, %mul3A_2 : i32
        %mul3A_385 = arith.constant 8 : i32
        %mul3A_386 = arith.muli %add3A_382, %mul3A_385 : i32
        %add3A_387 = arith.addi %add3A_384, %mul3A_386 : i32
        %mul3A_388 = arith.constant 2048 : i32
        %mul3A_389 = arith.muli %add3A_387, %mul3A_388 : i32
        %dma_start3A_390 = tpu.memref_slice %arg2[%mul3A_389] : memref<33554432xf32, #tpu.memory_space<hbm>> -> memref<16384xf32, #tpu.memory_space<hbm>>
        %dma_start3A_391 = tpu.memref_slice %arg2[%mul3A_389] : memref<33554432xf32, #tpu.memory_space<hbm>> -> memref<16384xf32, #tpu.memory_space<hbm>>
        tpu.enqueue_dma source(%dma_start3A_391 : memref<16384xf32, #tpu.memory_space<hbm>>) target(%arg8 : memref<16384xf32, #tpu.memory_space<vmem>>) target_semaphore(%arg14 : memref<!tpu.dma_semaphore, #tpu.memory_space<semaphore_mem>>)
      } else {
      }
      %scan3A_380 = arith.constant 0 : i32
      scf.yield %scan3A_380 : i32
    }
    %scan3A_29 = arith.constant 8 : i32
    %add3A_30 = arith.constant 8192 : i32
    %add3A_31 = arith.addi %add3A_30, %mul3A_2 : i32
    %add3A_32 = arith.constant 120 : i32
    %add3A_33 = arith.addi %add3A_31, %add3A_32 : i32
    %mul3A_34 = arith.constant 2048 : i32
    %mul3A_35 = arith.muli %add3A_33, %mul3A_34 : i32
    %dma_wait3A = tpu.memref_slice %arg4[%mul3A_35] : memref<33554432xf32, #tpu.memory_space<hbm>> -> memref<16384xf32, #tpu.memory_space<hbm>>
    %dma_wait3A_36 = tpu.memref_slice %arg4[%mul3A_35] : memref<33554432xf32, #tpu.memory_space<hbm>> -> memref<16384xf32, #tpu.memory_space<hbm>>
    tpu.wait_dma2 semaphore(%arg15 : memref<!tpu.dma_semaphore, #tpu.memory_space<semaphore_mem>>) src(%arg9 : memref<16384xf32, #tpu.memory_space<vmem>>) dst(%dma_wait3A_36 : memref<16384xf32, #tpu.memory_space<hbm>>)
    %add3A_37 = arith.constant 12288 : i32
    %add3A_38 = arith.addi %add3A_37, %mul3A_2 : i32
    %add3A_39 = arith.constant 120 : i32
    %add3A_40 = arith.addi %add3A_38, %add3A_39 : i32
    %mul3A_41 = arith.constant 2048 : i32
    %mul3A_42 = arith.muli %add3A_40, %mul3A_41 : i32
    %dma_wait3A_43 = tpu.memref_slice %arg4[%mul3A_42] : memref<33554432xf32, #tpu.memory_space<hbm>> -> memref<16384xf32, #tpu.memory_space<hbm>>
    %dma_wait3A_44 = tpu.memref_slice %arg4[%mul3A_42] : memref<33554432xf32, #tpu.memory_space<hbm>> -> memref<16384xf32, #tpu.memory_space<hbm>>
    tpu.wait_dma2 semaphore(%arg16 : memref<!tpu.dma_semaphore, #tpu.memory_space<semaphore_mem>>) src(%arg10 : memref<16384xf32, #tpu.memory_space<vmem>>) dst(%dma_wait3A_44 : memref<16384xf32, #tpu.memory_space<hbm>>)
    return
  }
}

</mosaic_0001>

<sc_bundles>
// kernel: kernel.3.cloned.1.call-start
scs
__scs_entry_jumppad:
0x0: {  	(pc) =	sbr.rel $0x88, $3  }
0x1: {  	(tag) =	ssettag $0x0;
	lr =	simm.s32 $0x1  }
0x2: {  	[smem:$0x3F9F] =	sst lr;
	_ =	strace $0xD0000000  }
0x3: {  	_ = 	snop  }
0x4: {  	_ = 	snop  }
0x5: {  	_ = 	snop  }
0x6: {  	_ = 	snop  }
0x7: {  	_ = 	snop  }
__scs_overlays_trampoline_lowered:
0x8: {  	[smem:$0x3FAE] =	sst s0  }
0x9: {  	[smem:$0x3FAF] =	sst s1  }
0xa: {  	[smem:$0x3FB0] =	sst s2  }
0xb: {  	[smem:$0x3FB1] =	sst s3  }
0xc: {  	[smem:$0x3FB2] =	sst s4  }
0xd: {  	[smem:$0x3FB3] =	sst s5  }
0xe: {  	[smem:$0x3FB4] =	sst s6  }
0xf: {  	[smem:$0x3FB5] =	sst s7  }
0x10: {  	[smem:$0x3FB6] =	sst s8  }
0x11: {  	[smem:$0x3FB7] =	sst s9;
	s0 =	simm.s32 @!p0 $0x0  }
0x12: {  	s1 =	sld [smem:$0x3F9D];
	s0 =	simm.s32 @p0 $0x1  }
0x13: {  	[smem:$0x3FB8] =	sst s0;
	s0 =	simm.s32 @!p1 $0x0  }
0x14: {  	s2 =	sld [smem:$0x3F9C];
	s0 =	simm.s32 @p1 $0x1  }
0x15: {  	[smem:$0x3FB9] =	sst s0;
	s0 =	simm.s32 @!p2 $0x0  }
0x16: {  	s3 =	sld [smem:$0x3FDB];
	s0 =	simm.s32 @p2 $0x1  }
0x17: {  	s4 =	simm.s32 $0x1BF5;
	[smem:$0x3FBB] =	sst s0  }
0x18: {  	s0 =	sld [smem:$0x3F9E];
	_ =	swait.ge [sflag:s4], $0x0  }
0x19: {  	s7 =	sld [smem:$0x3F9F]  }
0x1a: {  	s8 =	sadd.s32 $0xFFFFE003, lr  }
0x1b: {  	s9 =	sadd.s32 $0xFFFFFEF7, lr;
	s5 =	simm.s32 $0xFFFFFFFF;
	p2 =	slt.u32 s8, $0xFFFFF086  }
0x1c: {  	p1 =	slt.u32 s9, $0xF7A;
	s5 =	simm.s32 @!p2 $0x0  }
0x1d: {  	s5 =	simm.s32 @p1 $0x1;
	p0 =	seq.s32 s7, s2  }
0x1e: {  	s7 =	smul.u32 @!p0 $0xF7A, s2;
	p2 =	seq.s32 @!p0 s5, $0x0  }
0x1f: {  	s9 =	smul.u32 $0xF7A, s1;
	s8 =	simm.s32 @!p0 $0x1BF5;
	p2 =	por !p2, p0  }
0x20: {  	[sflag:s8] =	ssyncset.s32 @!p0 $0xFFFFF086;
	s6 =	sadd.s32 @!p0 s3, s7;
	s7 =	simm.s32 @!p0 $0x108  }
0x21: {  	s3 =	sadd.s32 s3, s9;
	s6 =	sadd.s32 @!p0 $0x88, s6;
	s7 =	simm.s32 @p2 $0x1082  }
0x22: {  	[simem:s7], [sflag:s8] =	dma.local @!p0 [hbm:s6], $0xF7A  }
0x23: {  	s9 =	sor.u32 $0xD0000000, s2;
	s6 =	simm.s32 $0x108;
	_ =	swait.ge @!p0 [sflag:s8], $0x0  }
0x24: {  	s3 =	sadd.s32 $0x88, s3;
	s6 =	simm.s32 @!p1 $0x1082;
	[sflag:s4] =	ssyncset.s32 $0xFFFFF086  }
0x25: {  	[simem:s6], [sflag:s4] =	dma.local [hbm:s3], $0xF7A  }
0x26: {  	[smem:$0x3F9F] =	sst s1;
	(tag) =	ssettag s2;
	_ =	strace s9  }
0x27: {  	s1 =	sld [smem:$0x3FAF]  }
0x28: {  	s2 =	sld [smem:$0x3FB0]  }
0x29: {  	s4 =	sld [smem:$0x3FB2]  }
0x2a: {  	p0 =	seq.s32 s5, $0x0;
	s5 =	sld [smem:$0x3FB3]  }
0x2b: {  	s6 =	sld [smem:$0x3FB4]  }
0x2c: {  	s7 =	sld [smem:$0x3FB5]  }
0x2d: {  	s3 =	simm.s32 $0x108;
	s8 =	sld [smem:$0x3FB6]  }
0x2e: {  	s3 =	simm.s32 @!p0 $0x1082;
	s9 =	sld [smem:$0x3FB7]  }
0x2f: {  	lr =	sadd.s32 s0, s3;
	s0 =	sld [smem:$0x3FAE]  }
0x30: {  	s3 =	sld [smem:$0x3FB1]  }
0x31: {  	[smem:$0x3FBA] =	sst s10  }
0x32: {  	s10 =	sld [smem:$0x3FB8];
	_ =	sdelay $0x3  }
0x33: {  	p0 =	seq.s32 s10, $0x1;
	s10 =	sld [smem:$0x3FBA];
	_ =	sdelay $0x3  }
0x34: {  	[smem:$0x3FBA] =	sst s10  }
0x35: {  	s10 =	sld [smem:$0x3FB9];
	_ =	sdelay $0x3  }
0x36: {  	p1 =	seq.s32 s10, $0x1;
	s10 =	sld [smem:$0x3FBA];
	_ =	sdelay $0x3  }
0x37: {  	[smem:$0x3FBA] =	sst s10  }
0x38: {  	s10 =	sld [smem:$0x3FBB]  }
0x39: {  	_ = 	snop;
	(pc) =	sbr.ind lr, $3  }
0x3a: {  	_ = 	snop  }
0x3b: {  	_ = 	snop  }
0x3c: {  	p2 =	seq.s32 s10, $0x1;
	s10 =	sld [smem:$0x3FBA]  }
0x3d: {  	_ =	shalt  }
0x3e: {  	_ =	shalt  }
0x3f: {  	_ =	shalt  }
0x40: {  	_ =	shalt  }
0x41: {  	_ =	shalt  }
0x42: {  	_ =	shalt  }
0x43: {  	_ =	shalt  }
0x44: {  	_ =	shalt  }
0x45: {  	_ =	shalt  }
0x46: {  	_ =	shalt  }
0x47: {  	_ =	shalt  }
0x48: {  	_ =	shalt  }
0x49: {  	_ =	shalt  }
0x4a: {  	_ =	shalt  }
0x4b: {  	_ =	shalt  }
0x4c: {  	_ =	shalt  }
0x4d: {  	_ =	shalt  }
0x4e: {  	_ =	shalt  }
0x4f: {  	_ =	shalt  }
0x50: {  	_ =	shalt  }
0x51: {  	_ =	shalt  }
0x52: {  	_ =	shalt  }
0x53: {  	_ =	shalt  }
0x54: {  	_ =	shalt  }
0x55: {  	_ =	shalt  }
0x56: {  	_ =	shalt  }
0x57: {  	_ =	shalt  }
0x58: {  	_ =	shalt  }
0x59: {  	_ =	shalt  }
0x5a: {  	_ =	shalt  }
0x5b: {  	_ =	shalt  }
0x5c: {  	_ =	shalt  }
0x5d: {  	_ =	shalt  }
0x5e: {  	_ =	shalt  }
0x5f: {  	_ =	shalt  }
0x60: {  	_ =	shalt  }
0x61: {  	_ =	shalt  }
0x62: {  	_ =	shalt  }
0x63: {  	_ =	shalt  }
0x64: {  	_ =	shalt  }
0x65: {  	_ =	shalt  }
0x66: {  	_ =	shalt  }
0x67: {  	_ =	shalt  }
0x68: {  	_ =	shalt  }
0x69: {  	_ =	shalt  }
0x6a: {  	_ =	shalt  }
0x6b: {  	_ =	shalt  }
0x6c: {  	_ =	shalt  }
0x6d: {  	_ =	shalt  }
0x6e: {  	_ =	shalt  }
0x6f: {  	_ =	shalt  }
0x70: {  	_ =	shalt  }
0x71: {  	_ =	shalt  }
0x72: {  	_ =	shalt  }
0x73: {  	_ =	shalt  }
0x74: {  	_ =	shalt  }
0x75: {  	_ =	shalt  }
0x76: {  	_ =	shalt  }
0x77: {  	_ =	shalt  }
0x78: {  	_ =	shalt  }
0x79: {  	_ =	shalt  }
0x7a: {  	_ =	shalt  }
0x7b: {  	_ =	shalt  }
0x7c: {  	_ =	shalt  }
0x7d: {  	_ =	shalt  }
0x7e: {  	_ =	shalt  }
0x7f: {  	_ =	shalt  }
0x80: {  	_ =	shalt  }
0x81: {  	_ =	shalt  }
0x82: {  	_ =	shalt  }
0x83: {  	_ =	shalt  }
0x84: {  	_ =	shalt  }
0x85: {  	_ =	shalt  }
0x86: {  	_ =	shalt  }
0x87: {  	_ =	shalt  }
.Lfunc_end0:
.L_simem_size_0:
called_computation.2_lowered:
.L_overlay_start_0:
0x88: {  	s2 =	sld [smem:$0x3FD9]  }
0x89: {  	s3 =	sld [smem:$0x3FFE];
	_ =	sdelay $0x1  }
0x8a: {  	s1 =	srdreg.scid  }
0x8b: {  	s0 =	sand.u32 $0x1, s1  }
0x8c: {  	s17 =	sshll.u32 s0, $0xA;
	s2 =	sadd.s32 s3, s2  }
0x8d: {  	s2 =	sadd.s32 s2, s17  }
0x8e: {  	[smem:$0x3FC6] =	sst s2  }
0x8f: {  	_ = 	snop  }
0x90: {  	s2 =	sld [smem:$0x3FD0];
	(tm) =	ssettm $0x1  }
0x91: {  	s18 =	sld [smem:$0x3FFB];
	_ =	sdelay $0x3  }
0x92: {  	_ =	strace s18  }
0x93: {  	s3 =	sld [smem:$0x3FFC];
	_ =	sdelay $0x3  }
0x94: {  	_ =	strace s3  }
0x95: {  	s3 =	sld [smem:$0x3FFD];
	_ =	sdelay $0x3  }
0x96: {  	_ =	strace s3  }
0x97: {  	_ =	strace $0x8FFFFFFF  }
0x98: {  	s19 =	sld [smem:$0x3FDB];
	_ =	sdelay $0x1  }
0x99: {  	s4 =	simm.s32 $_scs_section_size  }
0x9a: {  	s5 =	simm.s32 $_size__tile_overlayer_lowered;
	s6 =	simm.s32 $_tile_overlayer_lowered  }
0x9b: {  	s22 =	simm.s32 $0x1BFF;
	s21 =	sshll.u32 s6, $0x1;
	s3 =	sadd.s32 s4, s19  }
0x9c: {  	s7 =	simm.s32 $0x0;
	s20 =	sshll.u32 s5, $0x1;
	s5 =	sadd.s32 s21, s3  }
0x9d: {  	[timem:s7], [sflag:s22] =	dma.local [hbm:s5], s20  }
0x9e: {  	_ =	swait.ge [sflag:s22], s20  }
0x9f: {  	s4 =	ssub.s32 $0x0, s20;
	[sflag:s22] =	ssyncset.done $0x0  }
0xa0: {  	[sflag:s22] =	ssyncadd.s32 s4;
	_ =	sdelay $0x1  }
0xa1: {  	s23 =	simm.s32 $0x1B8B  }
0xa2: {  	_ =	swait.ge [sflag:s23], $0x1  }
0xa3: {  	[sflag:s23] =	ssyncset.done $0x0  }
0xa4: {  	s25 =	simm.s32 $0x1B8E;
	s24 =	sld [smem:$0x3FFE];
	[sflag:s23] =	ssyncadd.s32 $0xFFFFFFFF  }
0xa5: {  	s26 =	simm.s32 $execute0_lowered;
	[smem:$0x3FD2] =	sst s25  }
0xa6: {  	s5 =	sshll.u32 s26, $0x1;
	_ =	strace $0x8000004C;
	[dreg:$0x1] =	wrdreg $0xFFFFFFFF  }
0xa7: {  	s28 =	simm.s32 $_size_execute0_lowered;
	s3 =	sadd.s32 s3, s5;
	[dreg:$0x0] =	wrdreg $0x0  }
0xa8: {  	s5 =	sshll.u32 s28, $0x1;
	[dreg:$0x2] =	wrdreg s3  }
0xa9: {  	[dreg:$0x3] =	wrdreg s5  }
0xaa: {  	[dreg:$0x4] =	wrdreg $0xC0  }
0xab: {  	_ =	task [dreg:s7], $0x5FFFF  }
0xac: {  	[dreg:$0x1] =	wrdreg $0xFFFFFFFF  }
0xad: {  	[dreg:$0x0] =	wrdreg $0x60  }
0xae: {  	[dreg:$0x2] =	wrdreg s2  }
0xaf: {  	[dreg:$0x3] =	wrdreg s24  }
0xb0: {  	[dreg:$0x4] =	wrdreg $0x9  }
0xb1: {  	_ =	task.clear_ibuf [dreg:s7], $0x5FFFF;
	_ =	strace $0x9000004C  }
0xb2: {  	s29 =	simm.s32 $0x9;
	_ =	strace $0x8000004E  }
0xb3: {  	_ =	swait.ge [sflag:s29], $0x1  }
0xb4: {  	[sflag:s29] =	ssyncadd.s32 $0xFFFFFFFF  }
0xb5: {  	_ =	strace $0x9000004E  }
0xb6: {  	_ =	sfence  }
0xb7: {  	s30 =	sld [smem:$0x0];
	_ =	sdelay $0x2  }
0xb8: {  	s31 =	sshll.u32 s1, $0xD;
	s1 =	sshrl.u32 s1, $0x2  }
0xb9: {  	s3 =	sand.u32 $0x4000, s31;
	s1 =	sadd.s32 s1, s30  }
0xba: {  	s0 =	sor.u32 s3, s0;
	s1 =	sshll.u32 s1, $0x11  }
0xbb: {  	s0 =	sor.u32 s1, s0  }
0xbc: {  	s0 =	sadd.s32 $0x8F2B, s0  }
0xbd: {  	[sflag:s0] =	ssyncadd.remote.s32 $0x1  }
0xbe: {  	_ =	sfence.sel $0xFFFF  }
0xbf: {  	[dreg:$0x0] =	wrdreg $0xFFFFFFFF;
	(pc) =	sbr.abs _section_cstart, $3  }
0xc0: {  	[dreg:$0x1] =	wrdreg $0xFFFFFFFF  }
0xc1: {  	_ =	task.clear_ibuf [dreg:s7], $0x2FFFF;
	_ =	strace $0x9FFFFFFF  }
0xc2: {  	(tm) =	ssettm $0x7FFFFFFF  }
0xc3: {  	_ =	shalt  }
tec
execute0_lowered:
.L_overlay_start_1:
0x0: {  	(tag) =	ssettag $0x1  }
0x1: {  	s1 =	rddreg [dreg:$0x0]  }
0x2: {  	s0 =	rddreg [dreg:$0x1]  }
0x3: {  	s3 =	simm.s32 $0x0;
	s2 =	srdreg.scid;
	s4 =	stileid.u32  }
0x4: {  	s15 =	simm.s32 $0x8000;
	s16 =	simm.s32 $0xC000;
	s17 =	simm.s32 $0x1  }
0x5: {  	s18 =	simm.s32 $0x3;
	s19 =	simm.s32 $0x10000;
	s21 =	simm.s32 $0x4  }
0x6: {  	s22 =	simm.s32 $0x14000;
	s23 =	simm.s32 $0x5;
	s24 =	simm.s32 $0x6  }
0x7: {  	s25 =	simm.s32 $0x2;
	[smem:$0x7FF] =	sst s3;
	s2 =	sand.u32 $0x1, s2  }
0x8: {  	s4 =	sshll.u32 s4, $0x1;
	s8 =	sadd.s32 $0xC00, s0;
	s6 =	sadd.s32 $0x100C00, s0  }
0x9: {  	_ =	strace $0x8000004D;
	s4 =	sor.u32 s2, s4;
	s2 =	ssub.s32 $0x2, s2  }
0xa: {  	[dreg:$0x3] =	wrdreg s8;
	s5 =	sshll.u32 s4, $0x7;
	s30 =	sshrl.u32 s2, $0x1  }
.Ltmp0:
0xb: {  	s4 =	sshll.u32 s4, $0xF;
	s7 =	sor.u32 $0x1000, s5;
	(pc) =	sbr.rel .LBB2_1-.Ltmp0, $4  }
0xc: {  	s0 =	ssub.s32 s2, s30;
	s8 =	sadd.s32 s8, s4;
	[dreg:$0x4] =	wrdreg s4  }
0xd: {  	s10 =	sadd.s32 s1, s4;
	s12 =	sor.u32 $0x2000, s5;
	s13 =	sor.u32 $0x3000, s5  }
0xe: {  	s31 =	sshll.u32 s7, $0x8;
	[dreg:$0x5] =	wrdreg s8;
	s0 =	smax.u32 s0, $0x1  }
0xf: {  	s2 =	simm.s32 $0x0;
	s11 =	sadd.s32 s1, s31;
	[dreg:$0x6] =	wrdreg s0  }
.LBB2_20:
0x10: {  	_ =	swait.ge [sflag:s23], $0x4000  }
0x11: {  	[sflag:s23] =	ssyncset.done $0x0  }
0x12: {  	[sflag:s23] =	ssyncadd.s32 $0xFFFFC000  }
0x13: {  	_ =	swait.ge [sflag:s24], $0x4000  }
0x14: {  	s2 =	rddreg [dreg:$0x7]  }
0x15: {  	s0 =	rddreg [dreg:$0x6];
	s2 =	sadd.s32 $0x1, s2  }
0x16: {  	p0 =	sne.s32 s2, s0  }
.Ltmp1:
0x17: {  	_ = 	snop;
	(pc) =	sbr.rel @!p0 .LBB2_21-.Ltmp1, $3  }
0x18: {  	_ =	sdelay $0x1  }
0x19: {  	[sflag:s24] =	ssyncset.done $0x0  }
0x1a: {  	[sflag:s24] =	ssyncadd.s32 $0xFFFFC000  }
.LBB2_1:
0x1b: {  	s0 =	rddreg [dreg:$0x5]  }
0x1c: {  	[tilespmem:s3], [sflag:$0x1] =	stream.linear.gather [hbm4b:s0+s3], $0x4000, $0x38;
	[tilespmem:$0x18000] =	vst v63  }
0x1d: {  	_ = 	snop  }
0x1e: {  	[tilespmem:s15], [sflag:$0x3] =	stream.linear.gather [hbm4b:s10+s3], $0x4000, $0x38;
	[tilespmem:$0x18000] =	vst v63  }
0x1f: {  	[dreg:$0x7] =	wrdreg s2;
	s28 =	simm.s32 $0x0  }
0x20: {  	[tilespmem:s16], [sflag:$0x4] =	stream.linear.gather [hbm4b:s11+s3], $0x4000, $0x38;
	[tilespmem:$0x18000] =	vst v63  }
.LBB2_2:
0x21: {  	_ =	swait.ge [sflag:s17], $0x4000  }
0x22: {  	[sflag:s17] =	ssyncset.done $0x0  }
0x23: {  	[sflag:s17] =	ssyncadd.s32 $0xFFFFC000  }
0x24: {  	_ =	swait.ge [sflag:s18], $0x4000  }
0x25: {  	p0 =	seq.s32 s28, $0x0;
	[sflag:s18] =	ssyncset.done $0x0  }
0x26: {  	s0 =	simm.s32 @!p0 $0x5;
	[sflag:s18] =	ssyncadd.s32 $0xFFFFC000  }
0x27: {  	_ =	swait.ge @!p0 [sflag:s0], $0x4000  }
0x28: {  	[sflag:s0] =	ssyncset.done @!p0 $0x0  }
0x29: {  	s8 =	simm.s32 $0x8040;
	[sflag:s0] =	ssyncadd.s32 @!p0 $0xFFFFC000  }
0x2a: {  	s0 =	simm.s32 $0x40;
	v1 =	vld [tilespmem:s8+$0x30]  }
0x2b: {  	v2 =	vld [tilespmem:s0+$0x30]  }
0x2c: {  	v0 =	vld [tilespmem:s0+$0xFFFFFFC0]  }
0x2d: {  	v3 =	vld [tilespmem:s8+$0xFFFFFFD0]  }
0x2e: {  	v4 =	vld [tilespmem:s0+$0xFFFFFFD0]  }
0x2f: {  	v5 =	vld [tilespmem:s8+$0xFFFFFFE0]  }
0x30: {  	v6 =	vld [tilespmem:s0+$0xFFFFFFE0]  }
0x31: {  	v7 =	vld [tilespmem:s8+$0xFFFFFFF0]  }
0x32: {  	v8 =	vld [tilespmem:s0+$0xFFFFFFF0]  }
0x33: {  	v9 =	vld [tilespmem:s8+$0x0]  }
0x34: {  	v10 =	vld [tilespmem:s0+$0x0];
	v2 =	vadd.f32 v2, v1  }
0x35: {  	s2 =	simm.s32 $0x10040;
	v4 =	vadd.f32 v4, v3;
	v1 =	vld [tilespmem:s8+$0x10]  }
0x36: {  	v5 =	vadd.f32 v6, v5;
	v3 =	vld [tilespmem:s0+$0x10];
	[tilespmem:s2+$0x30] =	vst v2  }
0x37: {  	v6 =	vadd.f32 v8, v7;
	[tilespmem:s2+$0xFFFFFFD0] =	vst v4;
	v2 =	vld [tilespmem:s8+$0x20]  }
0x38: {  	s29 =	sshll.u32 s28, $0x1;
	s14 =	sshll.u32 s28, $0x4;
	[tilespmem:s2+$0xFFFFFFE0] =	vst v5;
	v4 =	vld [tilespmem:s0+$0x20]  }
0x39: {  	s4 =	simm.s32 $0x0;
	s20 =	sadd.s32 s5, s14;
	v5 =	vld [tilespmem:s8+$0xFFFFFFC0];
	[tilespmem:s2+$0xFFFFFFF0] =	vst v6;
	v6 =	vadd.f32 v10, v9;
	s8 =	simm.s32 $0x80C0  }
.LBB2_3:
0x3a: {  	v7 =	vld [tilespmem:s8+$0x30];
	s0 =	sadd.s32 $0x80, s0  }
0x3b: {  	s4 =	sadd.s32 $0x8, s4;
	v8 =	vld [tilespmem:s0+$0x30];
	[tilespmem:s2+$0x0] =	vst v6;
	v1 =	vadd.f32 v3, v1  }
0x3c: {  	p1 =	slt.u32 s4, $0x3F8;
	v3 =	vld [tilespmem:s0+$0xFFFFFFC0]  }
0x3d: {  	v6 =	vld [tilespmem:s8+$0xFFFFFFD0];
	[tilespmem:s2+$0x10] =	vst v1;
	v1 =	vadd.f32 v4, v2  }
0x3e: {  	v2 =	vld [tilespmem:s0+$0xFFFFFFD0];
	v9 =	vadd.f32 v0, v5  }
0x3f: {  	v4 =	vld [tilespmem:s8+$0xFFFFFFE0];
	[tilespmem:s2+$0x20] =	vst v1  }
0x40: {  	v1 =	vld [tilespmem:s0+$0xFFFFFFE0];
	v5 =	vadd.f32 v8, v7;
	[tilespmem:s2+$0xFFFFFFC0] =	vst v9  }
0x41: {  	s2 =	sadd.s32 $0x80, s2;
	v7 =	vld [tilespmem:s8+$0xFFFFFFF0];
	v0 =	vmov v3  }
0x42: {  	v8 =	vld [tilespmem:s0+$0xFFFFFFF0];
	[tilespmem:s2+$0x30] =	vst v5  }
0x43: {  	v2 =	vadd.f32 v2, v6;
	v6 =	vld [tilespmem:s8+$0x0]  }
0x44: {  	v9 =	vld [tilespmem:s0+$0x0]  }
.Ltmp2:
0x45: {  	[tilespmem:s2+$0xFFFFFFD0] =	vst v2;
	v2 =	vadd.f32 v1, v4;
	v1 =	vld [tilespmem:s8+$0x10];
	(pc) =	sbr.rel @p1 .LBB2_3-.Ltmp2, $4  }
0x46: {  	v3 =	vld [tilespmem:s0+$0x10]  }
0x47: {  	[tilespmem:s2+$0xFFFFFFE0] =	vst v2;
	v7 =	vadd.f32 v8, v7;
	v2 =	vld [tilespmem:s8+$0x20]  }
0x48: {  	v4 =	vld [tilespmem:s0+$0x20]  }
0x49: {  	v5 =	vld [tilespmem:s8+$0xFFFFFFC0];
	[tilespmem:s2+$0xFFFFFFF0] =	vst v7;
	v6 =	vadd.f32 v9, v6;
	s8 =	sadd.s32 $0x80, s8  }
0x4a: {  	_ =	sdelay $0x1  }
0x4b: {  	v1 =	vadd.f32 v3, v1  }
0x4c: {  	[tilespmem:s2+$0x0] =	vst v6;
	v2 =	vadd.f32 v4, v2  }
0x4d: {  	[tilespmem:s2+$0x10] =	vst v1;
	v0 =	vadd.f32 v0, v5  }
0x4e: {  	s0 =	sshll.u32 s20, $0x8;
	[tilespmem:s2+$0x20] =	vst v2  }
0x4f: {  	s9 =	sadd.s32 s12, s14;
	s0 =	sadd.s32 s6, s0;
	[tilespmem:s2+$0xFFFFFFC0] =	vst v0  }
0x50: {  	[hbm4b:s0+s3] =	stream.linear.scatter [tilespmem:s19], [sflag:$0x5], $0x4000, $0x38;
	[tilespmem:$0x18000] =	vst v63  }
0x51: {  	s30 =	sor.u32 $0x1, s29;
	s0 =	sshll.u32 s9, $0x8  }
0x52: {  	s31 =	sshll.u32 s30, $0xB;
	s26 =	rddreg [dreg:$0x4];
	s0 =	sand.u32 $0x1FFFF000, s0  }
0x53: {  	s4 =	rddreg [dreg:$0x3];
	s2 =	sor.u32 s26, s31;
	s20 =	sadd.s32 s1, s0  }
0x54: {  	[tilespmem:s15], [sflag:$0x3] =	stream.linear.gather [hbm4b:s20+s3], $0x4000, $0x38;
	[tilespmem:$0x18000] =	vst v63  }
0x55: {  	s8 =	simm.s32 $0x4000;
	s4 =	sadd.s32 s4, s2  }
0x56: {  	[tilespmem:s8], [sflag:$0x2] =	stream.linear.gather [hbm4b:s4+s3], $0x4000, $0x38;
	[tilespmem:$0x18000] =	vst v63  }
0x57: {  	_ =	swait.ge [sflag:s21], $0x4000  }
0x58: {  	[sflag:s21] =	ssyncset.done $0x0  }
0x59: {  	s4 =	simm.s32 @!p0 $0x6;
	[sflag:s21] =	ssyncadd.s32 $0xFFFFC000  }
0x5a: {  	_ =	swait.ge @!p0 [sflag:s4], $0x4000  }
0x5b: {  	[sflag:s4] =	ssyncset.done @!p0 $0x0  }
0x5c: {  	s9 =	simm.s32 $0xC040;
	[sflag:s4] =	ssyncadd.s32 @!p0 $0xFFFFC000  }
0x5d: {  	s26 =	simm.s32 $0x40;
	v1 =	vld [tilespmem:s9+$0x30]  }
0x5e: {  	v2 =	vld [tilespmem:s26+$0x30]  }
0x5f: {  	v0 =	vld [tilespmem:s26+$0xFFFFFFC0]  }
0x60: {  	v3 =	vld [tilespmem:s9+$0xFFFFFFD0]  }
0x61: {  	v4 =	vld [tilespmem:s26+$0xFFFFFFD0]  }
0x62: {  	v5 =	vld [tilespmem:s9+$0xFFFFFFE0]  }
0x63: {  	v6 =	vld [tilespmem:s26+$0xFFFFFFE0]  }
0x64: {  	v7 =	vld [tilespmem:s9+$0xFFFFFFF0]  }
0x65: {  	v8 =	vld [tilespmem:s26+$0xFFFFFFF0]  }
0x66: {  	v9 =	vld [tilespmem:s9+$0x0]  }
0x67: {  	v10 =	vld [tilespmem:s26+$0x0];
	v2 =	vadd.f32 v2, v1  }
0x68: {  	s20 =	simm.s32 $0x14040;
	v4 =	vadd.f32 v4, v3;
	v1 =	vld [tilespmem:s9+$0x10]  }
0x69: {  	v5 =	vadd.f32 v6, v5;
	v3 =	vld [tilespmem:s26+$0x10];
	[tilespmem:s20+$0x30] =	vst v2  }
0x6a: {  	v6 =	vadd.f32 v8, v7;
	[tilespmem:s20+$0xFFFFFFD0] =	vst v4;
	v2 =	vld [tilespmem:s9+$0x20]  }
0x6b: {  	[tilespmem:s20+$0xFFFFFFE0] =	vst v5;
	v4 =	vld [tilespmem:s26+$0x20]  }
0x6c: {  	s8 =	simm.s32 $0x0;
	s4 =	sadd.s32 s7, s14;
	v5 =	vld [tilespmem:s9+$0xFFFFFFC0];
	[tilespmem:s20+$0xFFFFFFF0] =	vst v6;
	v6 =	vadd.f32 v10, v9;
	s9 =	simm.s32 $0xC0C0  }
.LBB2_5:
0x6d: {  	v7 =	vld [tilespmem:s9+$0x30];
	s26 =	sadd.s32 $0x80, s26  }
0x6e: {  	s8 =	sadd.s32 $0x8, s8;
	v8 =	vld [tilespmem:s26+$0x30];
	[tilespmem:s20+$0x0] =	vst v6;
	v1 =	vadd.f32 v3, v1  }
0x6f: {  	p0 =	slt.u32 s8, $0x3F8;
	v3 =	vld [tilespmem:s26+$0xFFFFFFC0]  }
0x70: {  	v6 =	vld [tilespmem:s9+$0xFFFFFFD0];
	[tilespmem:s20+$0x10] =	vst v1;
	v1 =	vadd.f32 v4, v2  }
0x71: {  	v2 =	vld [tilespmem:s26+$0xFFFFFFD0];
	v9 =	vadd.f32 v0, v5  }
0x72: {  	v4 =	vld [tilespmem:s9+$0xFFFFFFE0];
	[tilespmem:s20+$0x20] =	vst v1  }
0x73: {  	v1 =	vld [tilespmem:s26+$0xFFFFFFE0];
	v5 =	vadd.f32 v8, v7;
	[tilespmem:s20+$0xFFFFFFC0] =	vst v9  }
0x74: {  	s20 =	sadd.s32 $0x80, s20;
	v7 =	vld [tilespmem:s9+$0xFFFFFFF0];
	v0 =	vmov v3  }
0x75: {  	v8 =	vld [tilespmem:s26+$0xFFFFFFF0];
	[tilespmem:s20+$0x30] =	vst v5  }
0x76: {  	v2 =	vadd.f32 v2, v6;
	v6 =	vld [tilespmem:s9+$0x0]  }
0x77: {  	v9 =	vld [tilespmem:s26+$0x0]  }
.Ltmp3:
0x78: {  	[tilespmem:s20+$0xFFFFFFD0] =	vst v2;
	v2 =	vadd.f32 v1, v4;
	v1 =	vld [tilespmem:s9+$0x10];
	(pc) =	sbr.rel @p0 .LBB2_5-.Ltmp3, $4  }
0x79: {  	v3 =	vld [tilespmem:s26+$0x10]  }
0x7a: {  	[tilespmem:s20+$0xFFFFFFE0] =	vst v2;
	v7 =	vadd.f32 v8, v7;
	v2 =	vld [tilespmem:s9+$0x20]  }
0x7b: {  	v4 =	vld [tilespmem:s26+$0x20]  }
0x7c: {  	v5 =	vld [tilespmem:s9+$0xFFFFFFC0];
	[tilespmem:s20+$0xFFFFFFF0] =	vst v7;
	v6 =	vadd.f32 v9, v6;
	s9 =	sadd.s32 $0x80, s9  }
0x7d: {  	_ =	sdelay $0x1  }
0x7e: {  	v1 =	vadd.f32 v3, v1  }
0x7f: {  	[tilespmem:s20+$0x0] =	vst v6;
	v2 =	vadd.f32 v4, v2  }
0x80: {  	s4 =	sshll.u32 s4, $0x8;
	[tilespmem:s20+$0x10] =	vst v1;
	v0 =	vadd.f32 v0, v5  }
0x81: {  	s4 =	sand.u32 $0x1FFFF000, s4;
	[tilespmem:s20+$0x20] =	vst v2  }
0x82: {  	s26 =	sadd.s32 s13, s14;
	s4 =	sadd.s32 s6, s4;
	[tilespmem:s20+$0xFFFFFFC0] =	vst v0  }
0x83: {  	[hbm4b:s4+s3] =	stream.linear.scatter [tilespmem:s22], [sflag:$0x6], $0x4000, $0x38;
	[tilespmem:$0x18000] =	vst v63  }
0x84: {  	s4 =	sshll.u32 s26, $0x8  }
0x85: {  	s14 =	sand.u32 $0x1FFFF000, s4  }
0x86: {  	s4 =	sadd.s32 s1, s14  }
0x87: {  	[tilespmem:s16], [sflag:$0x4] =	stream.linear.gather [hbm4b:s4+s3], $0x4000, $0x38;
	[tilespmem:$0x18000] =	vst v63  }
0x88: {  	_ =	swait.ge [sflag:s18], $0x4000  }
0x89: {  	[sflag:s18] =	ssyncset.done $0x0  }
0x8a: {  	[sflag:s18] =	ssyncadd.s32 $0xFFFFC000  }
0x8b: {  	_ =	swait.ge [sflag:s23], $0x4000  }
0x8c: {  	[sflag:s23] =	ssyncset.done $0x0  }
0x8d: {  	s8 =	simm.s32 $0x8040;
	[sflag:s23] =	ssyncadd.s32 $0xFFFFC000  }
0x8e: {  	s26 =	simm.s32 $0x40;
	v1 =	vld [tilespmem:s8+$0x30]  }
0x8f: {  	v2 =	vld [tilespmem:s26+$0x30]  }
0x90: {  	v0 =	vld [tilespmem:s26+$0xFFFFFFC0]  }
0x91: {  	v3 =	vld [tilespmem:s8+$0xFFFFFFD0]  }
0x92: {  	v4 =	vld [tilespmem:s26+$0xFFFFFFD0]  }
0x93: {  	v5 =	vld [tilespmem:s8+$0xFFFFFFE0]  }
0x94: {  	v6 =	vld [tilespmem:s26+$0xFFFFFFE0]  }
0x95: {  	v7 =	vld [tilespmem:s8+$0xFFFFFFF0]  }
0x96: {  	v8 =	vld [tilespmem:s26+$0xFFFFFFF0]  }
0x97: {  	v9 =	vld [tilespmem:s8+$0x0]  }
0x98: {  	v10 =	vld [tilespmem:s26+$0x0];
	v2 =	vadd.f32 v2, v1  }
0x99: {  	s20 =	simm.s32 $0x10040;
	v4 =	vadd.f32 v4, v3;
	v1 =	vld [tilespmem:s8+$0x10]  }
0x9a: {  	v5 =	vadd.f32 v6, v5;
	v3 =	vld [tilespmem:s26+$0x10];
	[tilespmem:s20+$0x30] =	vst v2  }
0x9b: {  	v6 =	vadd.f32 v8, v7;
	[tilespmem:s20+$0xFFFFFFD0] =	vst v4;
	v2 =	vld [tilespmem:s8+$0x20]  }
0x9c: {  	[tilespmem:s20+$0xFFFFFFE0] =	vst v5;
	v5 =	vld [tilespmem:s26+$0x20]  }
0x9d: {  	s4 =	simm.s32 $0x0;
	v4 =	vld [tilespmem:s8+$0xFFFFFFC0];
	[tilespmem:s20+$0xFFFFFFF0] =	vst v6;
	v6 =	vadd.f32 v10, v9;
	s8 =	simm.s32 $0x80C0  }
.LBB2_7:
0x9e: {  	v7 =	vld [tilespmem:s8+$0x30];
	s26 =	sadd.s32 $0x80, s26  }
0x9f: {  	s4 =	sadd.s32 $0x8, s4;
	v8 =	vld [tilespmem:s26+$0x30];
	[tilespmem:s20+$0x0] =	vst v6;
	v1 =	vadd.f32 v3, v1  }
0xa0: {  	p0 =	slt.u32 s4, $0x3F8;
	v3 =	vld [tilespmem:s26+$0xFFFFFFC0]  }
0xa1: {  	v6 =	vld [tilespmem:s8+$0xFFFFFFD0];
	[tilespmem:s20+$0x10] =	vst v1;
	v1 =	vadd.f32 v5, v2  }
0xa2: {  	v2 =	vld [tilespmem:s26+$0xFFFFFFD0];
	v9 =	vadd.f32 v0, v4  }
0xa3: {  	v4 =	vld [tilespmem:s8+$0xFFFFFFE0];
	[tilespmem:s20+$0x20] =	vst v1  }
0xa4: {  	v1 =	vld [tilespmem:s26+$0xFFFFFFE0];
	v5 =	vadd.f32 v8, v7;
	[tilespmem:s20+$0xFFFFFFC0] =	vst v9  }
0xa5: {  	s20 =	sadd.s32 $0x80, s20;
	v7 =	vld [tilespmem:s8+$0xFFFFFFF0];
	v0 =	vmov v3  }
0xa6: {  	v8 =	vld [tilespmem:s26+$0xFFFFFFF0];
	[tilespmem:s20+$0x30] =	vst v5  }
0xa7: {  	v2 =	vadd.f32 v2, v6;
	v6 =	vld [tilespmem:s8+$0x0]  }
0xa8: {  	v9 =	vld [tilespmem:s26+$0x0]  }
.Ltmp4:
0xa9: {  	[tilespmem:s20+$0xFFFFFFD0] =	vst v2;
	v2 =	vadd.f32 v1, v4;
	v1 =	vld [tilespmem:s8+$0x10];
	(pc) =	sbr.rel @p0 .LBB2_7-.Ltmp4, $4  }
0xaa: {  	v3 =	vld [tilespmem:s26+$0x10]  }
0xab: {  	[tilespmem:s20+$0xFFFFFFE0] =	vst v2;
	v7 =	vadd.f32 v8, v7;
	v2 =	vld [tilespmem:s8+$0x20]  }
0xac: {  	v5 =	vld [tilespmem:s26+$0x20]  }
0xad: {  	v4 =	vld [tilespmem:s8+$0xFFFFFFC0];
	[tilespmem:s20+$0xFFFFFFF0] =	vst v7;
	v6 =	vadd.f32 v9, v6;
	s8 =	sadd.s32 $0x80, s8  }
0xae: {  	_ =	sdelay $0x1  }
0xaf: {  	v1 =	vadd.f32 v3, v1  }
0xb0: {  	[tilespmem:s20+$0x0] =	vst v6;
	v2 =	vadd.f32 v5, v2  }
0xb1: {  	[tilespmem:s20+$0x10] =	vst v1;
	v0 =	vadd.f32 v0, v4  }
0xb2: {  	[tilespmem:s20+$0x20] =	vst v2  }
0xb3: {  	s0 =	sadd.s32 s6, s0;
	[tilespmem:s20+$0xFFFFFFC0] =	vst v0  }
0xb4: {  	[hbm4b:s0+s3] =	stream.linear.scatter [tilespmem:s19], [sflag:$0x5], $0x4000, $0x38;
	[tilespmem:$0x18000] =	vst v63  }
0xb5: {  	s26 =	sadd.s32 s1, s2  }
0xb6: {  	[tilespmem:s15], [sflag:$0x3] =	stream.linear.gather [hbm4b:s26+s3], $0x4000, $0x38;
	[tilespmem:$0x18000] =	vst v63  }
0xb7: {  	_ =	swait.ge [sflag:s21], $0x4000  }
0xb8: {  	[sflag:s21] =	ssyncset.done $0x0  }
0xb9: {  	[sflag:s21] =	ssyncadd.s32 $0xFFFFC000  }
0xba: {  	_ =	swait.ge [sflag:s24], $0x4000  }
0xbb: {  	[sflag:s24] =	ssyncset.done $0x0  }
0xbc: {  	s8 =	simm.s32 $0xC040;
	[sflag:s24] =	ssyncadd.s32 $0xFFFFC000  }
0xbd: {  	s0 =	simm.s32 $0x40;
	v1 =	vld [tilespmem:s8+$0x30]  }
0xbe: {  	v2 =	vld [tilespmem:s0+$0x30]  }
0xbf: {  	v0 =	vld [tilespmem:s0+$0xFFFFFFC0]  }
0xc0: {  	v3 =	vld [tilespmem:s8+$0xFFFFFFD0]  }
0xc1: {  	v4 =	vld [tilespmem:s0+$0xFFFFFFD0]  }
0xc2: {  	v5 =	vld [tilespmem:s8+$0xFFFFFFE0]  }
0xc3: {  	v6 =	vld [tilespmem:s0+$0xFFFFFFE0]  }
0xc4: {  	v7 =	vld [tilespmem:s8+$0xFFFFFFF0]  }
0xc5: {  	v8 =	vld [tilespmem:s0+$0xFFFFFFF0]  }
0xc6: {  	v9 =	vld [tilespmem:s8+$0x0]  }
0xc7: {  	v10 =	vld [tilespmem:s0+$0x0];
	v2 =	vadd.f32 v2, v1  }
0xc8: {  	s2 =	simm.s32 $0x14040;
	v4 =	vadd.f32 v4, v3;
	v1 =	vld [tilespmem:s8+$0x10]  }
0xc9: {  	v5 =	vadd.f32 v6, v5;
	v3 =	vld [tilespmem:s0+$0x10];
	[tilespmem:s2+$0x30] =	vst v2  }
0xca: {  	v6 =	vadd.f32 v8, v7;
	[tilespmem:s2+$0xFFFFFFD0] =	vst v4;
	v2 =	vld [tilespmem:s8+$0x20]  }
0xcb: {  	[tilespmem:s2+$0xFFFFFFE0] =	vst v5;
	v5 =	vld [tilespmem:s0+$0x20]  }
0xcc: {  	s4 =	simm.s32 $0x0;
	v4 =	vld [tilespmem:s8+$0xFFFFFFC0];
	[tilespmem:s2+$0xFFFFFFF0] =	vst v6;
	v6 =	vadd.f32 v10, v9;
	s8 =	simm.s32 $0xC0C0  }
.LBB2_9:
0xcd: {  	v7 =	vld [tilespmem:s8+$0x30];
	s0 =	sadd.s32 $0x80, s0  }
0xce: {  	s4 =	sadd.s32 $0x8, s4;
	v8 =	vld [tilespmem:s0+$0x30];
	[tilespmem:s2+$0x0] =	vst v6;
	v1 =	vadd.f32 v3, v1  }
0xcf: {  	p0 =	slt.u32 s4, $0x3F8;
	v3 =	vld [tilespmem:s0+$0xFFFFFFC0]  }
0xd0: {  	v6 =	vld [tilespmem:s8+$0xFFFFFFD0];
	[tilespmem:s2+$0x10] =	vst v1;
	v1 =	vadd.f32 v5, v2  }
0xd1: {  	v2 =	vld [tilespmem:s0+$0xFFFFFFD0];
	v9 =	vadd.f32 v0, v4  }
0xd2: {  	v4 =	vld [tilespmem:s8+$0xFFFFFFE0];
	[tilespmem:s2+$0x20] =	vst v1  }
0xd3: {  	v1 =	vld [tilespmem:s0+$0xFFFFFFE0];
	v5 =	vadd.f32 v8, v7;
	[tilespmem:s2+$0xFFFFFFC0] =	vst v9  }
0xd4: {  	s2 =	sadd.s32 $0x80, s2;
	v7 =	vld [tilespmem:s8+$0xFFFFFFF0];
	v0 =	vmov v3  }
0xd5: {  	v8 =	vld [tilespmem:s0+$0xFFFFFFF0];
	[tilespmem:s2+$0x30] =	vst v5  }
0xd6: {  	v2 =	vadd.f32 v2, v6;
	v6 =	vld [tilespmem:s8+$0x0]  }
0xd7: {  	v9 =	vld [tilespmem:s0+$0x0]  }
.Ltmp5:
0xd8: {  	[tilespmem:s2+$0xFFFFFFD0] =	vst v2;
	v2 =	vadd.f32 v1, v4;
	v1 =	vld [tilespmem:s8+$0x10];
	(pc) =	sbr.rel @p0 .LBB2_9-.Ltmp5, $4  }
0xd9: {  	v3 =	vld [tilespmem:s0+$0x10]  }
0xda: {  	[tilespmem:s2+$0xFFFFFFE0] =	vst v2;
	v7 =	vadd.f32 v8, v7;
	v2 =	vld [tilespmem:s8+$0x20]  }
0xdb: {  	v5 =	vld [tilespmem:s0+$0x20]  }
0xdc: {  	v4 =	vld [tilespmem:s8+$0xFFFFFFC0];
	[tilespmem:s2+$0xFFFFFFF0] =	vst v7;
	v6 =	vadd.f32 v9, v6;
	s8 =	sadd.s32 $0x80, s8  }
0xdd: {  	_ =	sdelay $0x1  }
0xde: {  	v1 =	vadd.f32 v3, v1  }
0xdf: {  	[tilespmem:s2+$0x0] =	vst v6;
	v2 =	vadd.f32 v5, v2  }
0xe0: {  	[tilespmem:s2+$0x10] =	vst v1;
	v0 =	vadd.f32 v0, v4  }
0xe1: {  	[tilespmem:s2+$0x20] =	vst v2  }
0xe2: {  	s0 =	sadd.s32 s6, s14;
	[tilespmem:s2+$0xFFFFFFC0] =	vst v0  }
0xe3: {  	[hbm4b:s0+s3] =	stream.linear.scatter [tilespmem:s22], [sflag:$0x6], $0x4000, $0x38;
	[tilespmem:$0x18000] =	vst v63  }
0xe4: {  	s31 =	sadd.s32 s31, s11  }
0xe5: {  	[tilespmem:s16], [sflag:$0x4] =	stream.linear.gather [hbm4b:s31+s3], $0x4000, $0x38;
	[tilespmem:$0x18000] =	vst v63  }
0xe6: {  	_ =	swait.ge [sflag:s25], $0x4000  }
0xe7: {  	[sflag:s25] =	ssyncset.done $0x0  }
0xe8: {  	[sflag:s25] =	ssyncadd.s32 $0xFFFFC000  }
0xe9: {  	_ =	swait.ge [sflag:s18], $0x4000  }
0xea: {  	[sflag:s18] =	ssyncset.done $0x0  }
0xeb: {  	[sflag:s18] =	ssyncadd.s32 $0xFFFFC000  }
0xec: {  	_ =	swait.ge [sflag:s23], $0x4000  }
0xed: {  	[sflag:s23] =	ssyncset.done $0x0  }
0xee: {  	s8 =	simm.s32 $0x8040;
	[sflag:s23] =	ssyncadd.s32 $0xFFFFC000  }
0xef: {  	s0 =	simm.s32 $0x4040;
	v1 =	vld [tilespmem:s8+$0x30]  }
0xf0: {  	v2 =	vld [tilespmem:s0+$0x30]  }
0xf1: {  	v0 =	vld [tilespmem:s0+$0xFFFFFFC0]  }
0xf2: {  	v3 =	vld [tilespmem:s8+$0xFFFFFFD0]  }
0xf3: {  	v4 =	vld [tilespmem:s0+$0xFFFFFFD0]  }
0xf4: {  	v5 =	vld [tilespmem:s8+$0xFFFFFFE0]  }
0xf5: {  	v6 =	vld [tilespmem:s0+$0xFFFFFFE0]  }
0xf6: {  	v7 =	vld [tilespmem:s8+$0xFFFFFFF0]  }
0xf7: {  	v8 =	vld [tilespmem:s0+$0xFFFFFFF0]  }
0xf8: {  	v9 =	vld [tilespmem:s8+$0x0]  }
0xf9: {  	v10 =	vld [tilespmem:s0+$0x0];
	v2 =	vadd.f32 v2, v1  }
0xfa: {  	s2 =	simm.s32 $0x10040;
	v3 =	vadd.f32 v4, v3;
	v1 =	vld [tilespmem:s8+$0x10]  }
0xfb: {  	v5 =	vadd.f32 v6, v5;
	v4 =	vld [tilespmem:s0+$0x10];
	[tilespmem:s2+$0x30] =	vst v2  }
0xfc: {  	v6 =	vadd.f32 v8, v7;
	[tilespmem:s2+$0xFFFFFFD0] =	vst v3;
	v2 =	vld [tilespmem:s8+$0x20]  }
0xfd: {  	[tilespmem:s2+$0xFFFFFFE0] =	vst v5;
	v5 =	vld [tilespmem:s0+$0x20]  }
0xfe: {  	s4 =	simm.s32 $0x0;
	v3 =	vld [tilespmem:s8+$0xFFFFFFC0];
	[tilespmem:s2+$0xFFFFFFF0] =	vst v6;
	v6 =	vadd.f32 v10, v9;
	s8 =	simm.s32 $0x80C0  }
.LBB2_11:
0xff: {  	v7 =	vld [tilespmem:s8+$0x30];
	s0 =	sadd.s32 $0x80, s0  }
0x100: {  	s4 =	sadd.s32 $0x8, s4;
	v8 =	vld [tilespmem:s0+$0x30];
	[tilespmem:s2+$0x0] =	vst v6;
	v1 =	vadd.f32 v4, v1  }
0x101: {  	p0 =	slt.u32 s4, $0x3F8;
	v4 =	vld [tilespmem:s0+$0xFFFFFFC0]  }
0x102: {  	v6 =	vld [tilespmem:s8+$0xFFFFFFD0];
	[tilespmem:s2+$0x10] =	vst v1;
	v1 =	vadd.f32 v5, v2  }
0x103: {  	v2 =	vld [tilespmem:s0+$0xFFFFFFD0];
	v9 =	vadd.f32 v0, v3  }
0x104: {  	v3 =	vld [tilespmem:s8+$0xFFFFFFE0];
	[tilespmem:s2+$0x20] =	vst v1  }
0x105: {  	v1 =	vld [tilespmem:s0+$0xFFFFFFE0];
	v5 =	vadd.f32 v8, v7;
	[tilespmem:s2+$0xFFFFFFC0] =	vst v9  }
0x106: {  	s2 =	sadd.s32 $0x80, s2;
	v7 =	vld [tilespmem:s8+$0xFFFFFFF0];
	v0 =	vmov v4  }
0x107: {  	v8 =	vld [tilespmem:s0+$0xFFFFFFF0];
	[tilespmem:s2+$0x30] =	vst v5  }
0x108: {  	v2 =	vadd.f32 v2, v6;
	v6 =	vld [tilespmem:s8+$0x0]  }
0x109: {  	v9 =	vld [tilespmem:s0+$0x0]  }
.Ltmp6:
0x10a: {  	[tilespmem:s2+$0xFFFFFFD0] =	vst v2;
	v2 =	vadd.f32 v1, v3;
	v1 =	vld [tilespmem:s8+$0x10];
	(pc) =	sbr.rel @p0 .LBB2_11-.Ltmp6, $4  }
0x10b: {  	v4 =	vld [tilespmem:s0+$0x10]  }
0x10c: {  	[tilespmem:s2+$0xFFFFFFE0] =	vst v2;
	v7 =	vadd.f32 v8, v7;
	v2 =	vld [tilespmem:s8+$0x20]  }
0x10d: {  	v5 =	vld [tilespmem:s0+$0x20]  }
0x10e: {  	v3 =	vld [tilespmem:s8+$0xFFFFFFC0];
	[tilespmem:s2+$0xFFFFFFF0] =	vst v7;
	v6 =	vadd.f32 v9, v6;
	s8 =	sadd.s32 $0x80, s8  }
0x10f: {  	_ =	sdelay $0x1  }
0x110: {  	s14 =	sshll.u32 s30, $0x3;
	v1 =	vadd.f32 v4, v1  }
0x111: {  	[tilespmem:s2+$0x0] =	vst v6;
	s0 =	sadd.s32 s5, s14;
	v2 =	vadd.f32 v5, v2  }
0x112: {  	s0 =	sshll.u32 s0, $0x8;
	[tilespmem:s2+$0x10] =	vst v1;
	v0 =	vadd.f32 v0, v3  }
0x113: {  	s0 =	sand.u32 $0x1FFFF800, s0;
	[tilespmem:s2+$0x20] =	vst v2  }
0x114: {  	s26 =	sadd.s32 s12, s14;
	s0 =	sadd.s32 s6, s0;
	[tilespmem:s2+$0xFFFFFFC0] =	vst v0  }
0x115: {  	[hbm4b:s0+s3] =	stream.linear.scatter [tilespmem:s19], [sflag:$0x5], $0x4000, $0x38;
	[tilespmem:$0x18000] =	vst v63  }
0x116: {  	s0 =	sshll.u32 s26, $0x8  }
0x117: {  	s29 =	sadd.s32 $0x2, s29;
	p0 =	seq.s32 s28, $0x7;
	s0 =	sand.u32 $0x1FFFF800, s0  }
0x118: {  	s2 =	sshll.u32 @!p0 s29, $0xB;
	s4 =	rddreg [dreg:$0x5];
	s30 =	sadd.s32 s1, s0  }
0x119: {  	[tilespmem:s15], [sflag:$0x3] =	stream.linear.gather [hbm4b:s30+s3], $0x4000, $0x38;
	[tilespmem:$0x18000] =	vst v63  }
0x11a: {  	s8 =	simm.s32 @!p0 $0x0;
	s4 =	sadd.s32 @!p0 s2, s4  }
0x11b: {  	[tilespmem:s8], [sflag:$0x1] =	stream.linear.gather @!p0 [hbm4b:s4+s8], $0x4000, $0x38;
	[tilespmem:$0x18000] =	vst v63  }
0x11c: {  	_ =	swait.ge [sflag:s21], $0x4000  }
0x11d: {  	[sflag:s21] =	ssyncset.done $0x0  }
0x11e: {  	[sflag:s21] =	ssyncadd.s32 $0xFFFFC000  }
0x11f: {  	_ =	swait.ge [sflag:s24], $0x4000  }
0x120: {  	[sflag:s24] =	ssyncset.done $0x0  }
0x121: {  	s31 =	simm.s32 $0xC040;
	[sflag:s24] =	ssyncadd.s32 $0xFFFFC000  }
0x122: {  	s26 =	simm.s32 $0x4040;
	v1 =	vld [tilespmem:s31+$0x30]  }
0x123: {  	v2 =	vld [tilespmem:s26+$0x30]  }
0x124: {  	v0 =	vld [tilespmem:s26+$0xFFFFFFC0]  }
0x125: {  	v3 =	vld [tilespmem:s31+$0xFFFFFFD0]  }
0x126: {  	v4 =	vld [tilespmem:s26+$0xFFFFFFD0]  }
0x127: {  	v5 =	vld [tilespmem:s31+$0xFFFFFFE0]  }
0x128: {  	v6 =	vld [tilespmem:s26+$0xFFFFFFE0]  }
0x129: {  	v7 =	vld [tilespmem:s31+$0xFFFFFFF0]  }
0x12a: {  	v8 =	vld [tilespmem:s26+$0xFFFFFFF0]  }
0x12b: {  	v9 =	vld [tilespmem:s31+$0x0]  }
0x12c: {  	v10 =	vld [tilespmem:s26+$0x0];
	v2 =	vadd.f32 v2, v1  }
0x12d: {  	s20 =	simm.s32 $0x14040;
	v4 =	vadd.f32 v4, v3;
	v1 =	vld [tilespmem:s31+$0x10]  }
0x12e: {  	v5 =	vadd.f32 v6, v5;
	v3 =	vld [tilespmem:s26+$0x10];
	[tilespmem:s20+$0x30] =	vst v2  }
0x12f: {  	v6 =	vadd.f32 v8, v7;
	[tilespmem:s20+$0xFFFFFFD0] =	vst v4;
	v2 =	vld [tilespmem:s31+$0x20]  }
0x130: {  	[tilespmem:s20+$0xFFFFFFE0] =	vst v5;
	v5 =	vld [tilespmem:s26+$0x20]  }
0x131: {  	s4 =	simm.s32 $0x0;
	s8 =	simm.s32 $0xC0C0;
	v4 =	vld [tilespmem:s31+$0xFFFFFFC0];
	[tilespmem:s20+$0xFFFFFFF0] =	vst v6;
	v6 =	vadd.f32 v10, v9  }
.LBB2_13:
0x132: {  	v7 =	vld [tilespmem:s8+$0x30];
	s26 =	sadd.s32 $0x80, s26  }
0x133: {  	s4 =	sadd.s32 $0x8, s4;
	v8 =	vld [tilespmem:s26+$0x30];
	[tilespmem:s20+$0x0] =	vst v6;
	v1 =	vadd.f32 v3, v1  }
0x134: {  	p1 =	slt.u32 s4, $0x3F8;
	v3 =	vld [tilespmem:s26+$0xFFFFFFC0]  }
0x135: {  	v6 =	vld [tilespmem:s8+$0xFFFFFFD0];
	[tilespmem:s20+$0x10] =	vst v1;
	v1 =	vadd.f32 v5, v2  }
0x136: {  	v2 =	vld [tilespmem:s26+$0xFFFFFFD0];
	v9 =	vadd.f32 v0, v4  }
0x137: {  	v4 =	vld [tilespmem:s8+$0xFFFFFFE0];
	[tilespmem:s20+$0x20] =	vst v1  }
0x138: {  	v1 =	vld [tilespmem:s26+$0xFFFFFFE0];
	v5 =	vadd.f32 v8, v7;
	[tilespmem:s20+$0xFFFFFFC0] =	vst v9  }
0x139: {  	s20 =	sadd.s32 $0x80, s20;
	v7 =	vld [tilespmem:s8+$0xFFFFFFF0];
	v0 =	vmov v3  }
0x13a: {  	v8 =	vld [tilespmem:s26+$0xFFFFFFF0];
	[tilespmem:s20+$0x30] =	vst v5  }
0x13b: {  	v2 =	vadd.f32 v2, v6;
	v6 =	vld [tilespmem:s8+$0x0]  }
0x13c: {  	v9 =	vld [tilespmem:s26+$0x0]  }
.Ltmp7:
0x13d: {  	[tilespmem:s20+$0xFFFFFFD0] =	vst v2;
	v2 =	vadd.f32 v1, v4;
	v1 =	vld [tilespmem:s8+$0x10];
	(pc) =	sbr.rel @p1 .LBB2_13-.Ltmp7, $4  }
0x13e: {  	v3 =	vld [tilespmem:s26+$0x10]  }
0x13f: {  	[tilespmem:s20+$0xFFFFFFE0] =	vst v2;
	v7 =	vadd.f32 v8, v7;
	v2 =	vld [tilespmem:s8+$0x20]  }
0x140: {  	v5 =	vld [tilespmem:s26+$0x20]  }
0x141: {  	v4 =	vld [tilespmem:s8+$0xFFFFFFC0];
	[tilespmem:s20+$0xFFFFFFF0] =	vst v7;
	v6 =	vadd.f32 v9, v6;
	s8 =	sadd.s32 $0x80, s8  }
0x142: {  	_ =	sdelay $0x1  }
0x143: {  	v1 =	vadd.f32 v3, v1  }
0x144: {  	s4 =	sadd.s32 s7, s14;
	[tilespmem:s20+$0x0] =	vst v6;
	v2 =	vadd.f32 v5, v2  }
0x145: {  	s4 =	sshll.u32 s4, $0x8;
	[tilespmem:s20+$0x10] =	vst v1;
	v0 =	vadd.f32 v0, v4  }
0x146: {  	s4 =	sand.u32 $0x1FFFF800, s4;
	[tilespmem:s20+$0x20] =	vst v2  }
0x147: {  	s31 =	sadd.s32 s13, s14;
	s4 =	sadd.s32 s6, s4;
	[tilespmem:s20+$0xFFFFFFC0] =	vst v0  }
0x148: {  	[hbm4b:s4+s3] =	stream.linear.scatter [tilespmem:s22], [sflag:$0x6], $0x4000, $0x38;
	[tilespmem:$0x18000] =	vst v63  }
0x149: {  	s4 =	sshll.u32 s31, $0x8  }
0x14a: {  	s30 =	sand.u32 $0x1FFFF800, s4  }
0x14b: {  	s4 =	sadd.s32 s1, s30  }
0x14c: {  	[tilespmem:s16], [sflag:$0x4] =	stream.linear.gather [hbm4b:s4+s3], $0x4000, $0x38;
	[tilespmem:$0x18000] =	vst v63  }
0x14d: {  	_ =	swait.ge [sflag:s18], $0x4000  }
0x14e: {  	[sflag:s18] =	ssyncset.done $0x0  }
0x14f: {  	[sflag:s18] =	ssyncadd.s32 $0xFFFFC000  }
0x150: {  	_ =	swait.ge [sflag:s23], $0x4000  }
0x151: {  	[sflag:s23] =	ssyncset.done $0x0  }
0x152: {  	s8 =	simm.s32 $0x8040;
	[sflag:s23] =	ssyncadd.s32 $0xFFFFC000  }
0x153: {  	s14 =	simm.s32 $0x4040;
	v1 =	vld [tilespmem:s8+$0x30]  }
0x154: {  	v2 =	vld [tilespmem:s14+$0x30]  }
0x155: {  	v0 =	vld [tilespmem:s14+$0xFFFFFFC0]  }
0x156: {  	v3 =	vld [tilespmem:s8+$0xFFFFFFD0]  }
0x157: {  	v4 =	vld [tilespmem:s14+$0xFFFFFFD0]  }
0x158: {  	v5 =	vld [tilespmem:s8+$0xFFFFFFE0]  }
0x159: {  	v6 =	vld [tilespmem:s14+$0xFFFFFFE0]  }
0x15a: {  	v7 =	vld [tilespmem:s8+$0xFFFFFFF0]  }
0x15b: {  	v8 =	vld [tilespmem:s14+$0xFFFFFFF0]  }
0x15c: {  	v9 =	vld [tilespmem:s8+$0x0]  }
0x15d: {  	v10 =	vld [tilespmem:s14+$0x0];
	v2 =	vadd.f32 v2, v1  }
0x15e: {  	s20 =	simm.s32 $0x10040;
	v4 =	vadd.f32 v4, v3;
	v1 =	vld [tilespmem:s8+$0x10]  }
0x15f: {  	v5 =	vadd.f32 v6, v5;
	v3 =	vld [tilespmem:s14+$0x10];
	[tilespmem:s20+$0x30] =	vst v2  }
0x160: {  	v6 =	vadd.f32 v8, v7;
	[tilespmem:s20+$0xFFFFFFD0] =	vst v4;
	v2 =	vld [tilespmem:s8+$0x20]  }
0x161: {  	[tilespmem:s20+$0xFFFFFFE0] =	vst v5;
	v5 =	vld [tilespmem:s14+$0x20]  }
0x162: {  	s4 =	simm.s32 $0x0;
	v4 =	vld [tilespmem:s8+$0xFFFFFFC0];
	[tilespmem:s20+$0xFFFFFFF0] =	vst v6;
	v6 =	vadd.f32 v10, v9;
	s8 =	simm.s32 $0x80C0  }
.LBB2_15:
0x163: {  	v7 =	vld [tilespmem:s8+$0x30];
	s14 =	sadd.s32 $0x80, s14  }
0x164: {  	s4 =	sadd.s32 $0x8, s4;
	v8 =	vld [tilespmem:s14+$0x30];
	[tilespmem:s20+$0x0] =	vst v6;
	v1 =	vadd.f32 v3, v1  }
0x165: {  	p1 =	slt.u32 s4, $0x3F8;
	v3 =	vld [tilespmem:s14+$0xFFFFFFC0]  }
0x166: {  	v6 =	vld [tilespmem:s8+$0xFFFFFFD0];
	[tilespmem:s20+$0x10] =	vst v1;
	v1 =	vadd.f32 v5, v2  }
0x167: {  	v2 =	vld [tilespmem:s14+$0xFFFFFFD0];
	v9 =	vadd.f32 v0, v4  }
0x168: {  	v4 =	vld [tilespmem:s8+$0xFFFFFFE0];
	[tilespmem:s20+$0x20] =	vst v1  }
0x169: {  	v1 =	vld [tilespmem:s14+$0xFFFFFFE0];
	v5 =	vadd.f32 v8, v7;
	[tilespmem:s20+$0xFFFFFFC0] =	vst v9  }
0x16a: {  	s20 =	sadd.s32 $0x80, s20;
	v7 =	vld [tilespmem:s8+$0xFFFFFFF0];
	v0 =	vmov v3  }
0x16b: {  	v8 =	vld [tilespmem:s14+$0xFFFFFFF0];
	[tilespmem:s20+$0x30] =	vst v5  }
0x16c: {  	v2 =	vadd.f32 v2, v6;
	v6 =	vld [tilespmem:s8+$0x0]  }
0x16d: {  	v9 =	vld [tilespmem:s14+$0x0]  }
.Ltmp8:
0x16e: {  	[tilespmem:s20+$0xFFFFFFD0] =	vst v2;
	v2 =	vadd.f32 v1, v4;
	v1 =	vld [tilespmem:s8+$0x10];
	(pc) =	sbr.rel @p1 .LBB2_15-.Ltmp8, $4  }
0x16f: {  	v3 =	vld [tilespmem:s14+$0x10]  }
0x170: {  	[tilespmem:s20+$0xFFFFFFE0] =	vst v2;
	v7 =	vadd.f32 v8, v7;
	v2 =	vld [tilespmem:s8+$0x20]  }
0x171: {  	v5 =	vld [tilespmem:s14+$0x20]  }
0x172: {  	v4 =	vld [tilespmem:s8+$0xFFFFFFC0];
	[tilespmem:s20+$0xFFFFFFF0] =	vst v7;
	v6 =	vadd.f32 v9, v6;
	s8 =	sadd.s32 $0x80, s8  }
0x173: {  	_ =	sdelay $0x1  }
0x174: {  	v1 =	vadd.f32 v3, v1  }
0x175: {  	[tilespmem:s20+$0x0] =	vst v6;
	v2 =	vadd.f32 v5, v2  }
0x176: {  	[tilespmem:s20+$0x10] =	vst v1;
	v0 =	vadd.f32 v0, v4  }
0x177: {  	[tilespmem:s20+$0x20] =	vst v2  }
0x178: {  	s0 =	sadd.s32 s6, s0;
	[tilespmem:s20+$0xFFFFFFC0] =	vst v0  }
0x179: {  	[hbm4b:s0+s3] =	stream.linear.scatter [tilespmem:s19], [sflag:$0x5], $0x4000, $0x38;
	[tilespmem:$0x18000] =	vst v63  }
0x17a: {  	s4 =	simm.s32 @!p0 $0x8000;
	s0 =	sadd.s32 @!p0 s2, s10;
	s2 =	simm.s32 @!p0 $0x0  }
0x17b: {  	[tilespmem:s4], [sflag:$0x3] =	stream.linear.gather @!p0 [hbm4b:s0+s2], $0x4000, $0x38;
	[tilespmem:$0x18000] =	vst v63  }
0x17c: {  	_ =	swait.ge [sflag:s21], $0x4000  }
0x17d: {  	[sflag:s21] =	ssyncset.done $0x0  }
0x17e: {  	[sflag:s21] =	ssyncadd.s32 $0xFFFFC000  }
0x17f: {  	_ =	swait.ge [sflag:s24], $0x4000  }
0x180: {  	[sflag:s24] =	ssyncset.done $0x0  }
0x181: {  	s8 =	simm.s32 $0xC040;
	[sflag:s24] =	ssyncadd.s32 $0xFFFFC000  }
0x182: {  	s0 =	simm.s32 $0x4040;
	v1 =	vld [tilespmem:s8+$0x30]  }
0x183: {  	v2 =	vld [tilespmem:s0+$0x30]  }
0x184: {  	v0 =	vld [tilespmem:s0+$0xFFFFFFC0]  }
0x185: {  	v3 =	vld [tilespmem:s8+$0xFFFFFFD0]  }
0x186: {  	v4 =	vld [tilespmem:s0+$0xFFFFFFD0]  }
0x187: {  	v5 =	vld [tilespmem:s8+$0xFFFFFFE0]  }
0x188: {  	v6 =	vld [tilespmem:s0+$0xFFFFFFE0]  }
0x189: {  	v7 =	vld [tilespmem:s8+$0xFFFFFFF0]  }
0x18a: {  	v8 =	vld [tilespmem:s0+$0xFFFFFFF0]  }
0x18b: {  	v9 =	vld [tilespmem:s8+$0x0]  }
0x18c: {  	v10 =	vld [tilespmem:s0+$0x0];
	v2 =	vadd.f32 v2, v1  }
0x18d: {  	s2 =	simm.s32 $0x14040;
	v4 =	vadd.f32 v4, v3;
	v1 =	vld [tilespmem:s8+$0x10]  }
0x18e: {  	v5 =	vadd.f32 v6, v5;
	v3 =	vld [tilespmem:s0+$0x10];
	[tilespmem:s2+$0x30] =	vst v2  }
0x18f: {  	v6 =	vadd.f32 v8, v7;
	[tilespmem:s2+$0xFFFFFFD0] =	vst v4;
	v2 =	vld [tilespmem:s8+$0x20]  }
0x190: {  	[tilespmem:s2+$0xFFFFFFE0] =	vst v5;
	v5 =	vld [tilespmem:s0+$0x20]  }
0x191: {  	s4 =	simm.s32 $0x0;
	v4 =	vld [tilespmem:s8+$0xFFFFFFC0];
	[tilespmem:s2+$0xFFFFFFF0] =	vst v6;
	v6 =	vadd.f32 v10, v9;
	s8 =	simm.s32 $0xC0C0  }
.LBB2_17:
0x192: {  	v7 =	vld [tilespmem:s8+$0x30];
	s0 =	sadd.s32 $0x80, s0  }
0x193: {  	s4 =	sadd.s32 $0x8, s4;
	v8 =	vld [tilespmem:s0+$0x30];
	[tilespmem:s2+$0x0] =	vst v6;
	v1 =	vadd.f32 v3, v1  }
0x194: {  	p1 =	slt.u32 s4, $0x3F8;
	v3 =	vld [tilespmem:s0+$0xFFFFFFC0]  }
0x195: {  	v6 =	vld [tilespmem:s8+$0xFFFFFFD0];
	[tilespmem:s2+$0x10] =	vst v1;
	v1 =	vadd.f32 v5, v2  }
0x196: {  	v2 =	vld [tilespmem:s0+$0xFFFFFFD0];
	v9 =	vadd.f32 v0, v4  }
0x197: {  	v4 =	vld [tilespmem:s8+$0xFFFFFFE0];
	[tilespmem:s2+$0x20] =	vst v1  }
0x198: {  	v1 =	vld [tilespmem:s0+$0xFFFFFFE0];
	v5 =	vadd.f32 v8, v7;
	[tilespmem:s2+$0xFFFFFFC0] =	vst v9  }
0x199: {  	s2 =	sadd.s32 $0x80, s2;
	v7 =	vld [tilespmem:s8+$0xFFFFFFF0];
	v0 =	vmov v3  }
0x19a: {  	v8 =	vld [tilespmem:s0+$0xFFFFFFF0];
	[tilespmem:s2+$0x30] =	vst v5  }
0x19b: {  	v2 =	vadd.f32 v2, v6;
	v6 =	vld [tilespmem:s8+$0x0]  }
0x19c: {  	v9 =	vld [tilespmem:s0+$0x0]  }
.Ltmp9:
0x19d: {  	[tilespmem:s2+$0xFFFFFFD0] =	vst v2;
	v2 =	vadd.f32 v1, v4;
	v1 =	vld [tilespmem:s8+$0x10];
	(pc) =	sbr.rel @p1 .LBB2_17-.Ltmp9, $4  }
0x19e: {  	v3 =	vld [tilespmem:s0+$0x10]  }
0x19f: {  	[tilespmem:s2+$0xFFFFFFE0] =	vst v2;
	v7 =	vadd.f32 v8, v7;
	v2 =	vld [tilespmem:s8+$0x20]  }
0x1a0: {  	v5 =	vld [tilespmem:s0+$0x20]  }
0x1a1: {  	v4 =	vld [tilespmem:s8+$0xFFFFFFC0];
	[tilespmem:s2+$0xFFFFFFF0] =	vst v7;
	v6 =	vadd.f32 v9, v6;
	s8 =	sadd.s32 $0x80, s8  }
0x1a2: {  	_ =	sdelay $0x1  }
0x1a3: {  	v1 =	vadd.f32 v3, v1  }
.Ltmp10:
0x1a4: {  	[tilespmem:s2+$0x0] =	vst v6;
	v2 =	vadd.f32 v5, v2;
	(pc) =	sbr.rel @p0 .LBB2_20-.Ltmp10, $4  }
0x1a5: {  	[tilespmem:s2+$0x10] =	vst v1;
	v0 =	vadd.f32 v0, v4  }
0x1a6: {  	[tilespmem:s2+$0x20] =	vst v2  }
0x1a7: {  	s0 =	sadd.s32 s6, s30;
	[tilespmem:s2+$0xFFFFFFC0] =	vst v0  }
0x1a8: {  	[hbm4b:s0+s3] =	stream.linear.scatter [tilespmem:s22], [sflag:$0x6], $0x4000, $0x38;
	[tilespmem:$0x18000] =	vst v63  }
.Ltmp11:
0x1a9: {  	(pc) =	sbr.rel .LBB2_2-.Ltmp11, $4  }
0x1aa: {  	_ = 	snop  }
0x1ab: {  	s0 =	sshll.u32 s29, $0xB  }
0x1ac: {  	s28 =	sadd.s32 $0x1, s28;
	s0 =	sadd.s32 s0, s11  }
0x1ad: {  	[tilespmem:s16], [sflag:$0x4] =	stream.linear.gather [hbm4b:s0+s3], $0x4000, $0x38;
	[tilespmem:$0x18000] =	vst v63  }
.LBB2_21:
0x1ae: {  	_ =	sfence.sel $0x180000  }
0x1af: {  	[bflag:$0x0] =	sbarrier.arrive $0xFFFF  }
0x1b0: {  	_ =	strace $0x9000004D  }
0x1b1: {  	s0 =	stileid.u32;
	[bflag:$0x2] =	sbarrier.arrive $0xFFFF  }
0x1b2: {  	p0 =	sne.s32 s0, $0x0;
	s0 =	rddreg [dreg:$0x2]  }
0x1b3: {  	s0 =	sadd.s32 @!p0 $0x100000, s0  }
0x1b4: {  	[sflag:s0] =	ssyncadd.tile.s32 @!p0 $0x1;
	_ =	shalt  }
.Lfunc_end2:
_tile_overlayer_lowered:
.L_overlay_start_2:
0x1b5: {  	(tag) =	ssettag $0x2  }
0x1b6: {  	s0 =	rddreg [dreg:$0x0];
	s2 =	stileid.u32  }
0x1b7: {  	s1 =	rddreg [dreg:$0x1];
	p0 =	sne.s32 s2, $0x0  }
0x1b8: {  	s3 =	rddreg [dreg:$0x2];
	[bflag:$0x3] =	sbarrier.arrive $0xFFFF;
	s2 =	simm.s32 @!p0 $0x1C07  }
0x1b9: {  	[timem:s3], [sflag:s2] =	dma.local @!p0 [hbm:s0], s1  }
0x1ba: {  	s0 =	simm.s32 @!p0 $0x7  }
0x1bb: {  	_ =	swait.ge @!p0 [sflag:s0], s1  }
0x1bc: {  	s1 =	ssub.s32 @!p0 $0x0, s1;
	[sflag:s0] =	ssyncset.done @!p0 $0x0  }
0x1bd: {  	[sflag:s0] =	ssyncadd.s32 @!p0 s1  }
0x1be: {  	[bflag:$0x3] =	sbarrier.arrive $0xFFFF  }
0x1bf: {  	_ =	shalt  }

// kernel: sparse-core-data-format-call.1.cloned.1.call-start
scs
called_computation.1_lowered:
.L_overlay_start_0:
0x0: {  	s2 =	sld [smem:$0x3FD9]  }
0x1: {  	s3 =	sld [smem:$0x3FFE];
	_ =	sdelay $0x1  }
0x2: {  	s1 =	srdreg.scid  }
0x3: {  	s0 =	sand.u32 $0x1, s1  }
0x4: {  	s19 =	sshll.u32 s0, $0xA;
	s2 =	sadd.s32 s3, s2  }
0x5: {  	s2 =	sadd.s32 s2, s19  }
0x6: {  	[smem:$0x3FC6] =	sst s2  }
0x7: {  	_ = 	snop  }
0x8: {  	s20 =	sld [smem:$0x3FC9]  }
0x9: {  	s4 =	sld [smem:$0x3FD0];
	(tm) =	ssettm $0x1  }
0xa: {  	s21 =	sld [smem:$0x3FFB];
	_ =	sdelay $0x3  }
0xb: {  	_ =	strace s21  }
0xc: {  	s2 =	sld [smem:$0x3FFC];
	_ =	sdelay $0x3  }
0xd: {  	_ =	strace s2  }
0xe: {  	s2 =	sld [smem:$0x3FFD];
	_ =	sdelay $0x3  }
0xf: {  	_ =	strace s2  }
0x10: {  	_ =	strace $0x8FFFFFFF  }
0x11: {  	s22 =	sld [smem:$0x3FDB];
	_ =	sdelay $0x1  }
0x12: {  	s5 =	simm.s32 $_scs_section_size  }
0x13: {  	s6 =	simm.s32 $_size__tile_overlayer_lowered;
	s7 =	simm.s32 $_tile_overlayer_lowered  }
0x14: {  	s8 =	simm.s32 $0x1BFF;
	s23 =	sshll.u32 s7, $0x1;
	s5 =	sadd.s32 s5, s22  }
0x15: {  	s24 =	simm.s32 $0x0;
	s6 =	sshll.u32 s6, $0x1;
	s7 =	sadd.s32 s23, s5  }
0x16: {  	[timem:s24], [sflag:s8] =	dma.local [hbm:s7], s6  }
0x17: {  	_ =	swait.ge [sflag:s8], s6  }
0x18: {  	s6 =	ssub.s32 $0x0, s6;
	[sflag:s8] =	ssyncset.done $0x0  }
0x19: {  	[sflag:s8] =	ssyncadd.s32 s6;
	_ =	sdelay $0x1  }
0x1a: {  	s25 =	simm.s32 $0x1B8B  }
0x1b: {  	_ =	swait.ge [sflag:s25], $0x1  }
0x1c: {  	[sflag:s25] =	ssyncset.done $0x0  }
0x1d: {  	[sflag:s25] =	ssyncadd.s32 $0xFFFFFFFF  }
0x1e: {  	s6 =	sld [smem:$0x0]  }
0x1f: {  	s7 =	sand.u32 $0xFFFFFFFE, s1  }
0x20: {  	p0 =	sne.s32 s1, s7  }
0x21: {  	s7 =	sshll.u32 @p0 s7, $0xE  }
0x22: {  	s7 =	sadd.s32 @p0 $0x11B8D, s7;
	s8 =	sshll.u32 @p0 s6, $0x11  }
0x23: {  	s7 =	sor.u32 @p0 s8, s7  }
0x24: {  	[sflag:s7] =	ssyncadd.remote.s32 @p0 $0x1;
	_ =	sdelay $0x1  }
0x25: {  	s7 =	simm.s32 @p0 $0x1B8D  }
0x26: {  	_ =	swait.eq @p0 [sflag:s7], $0x1  }
0x27: {  	[sflag:s7] =	ssyncadd.s32 @p0 $0xFFFFFFFF  }
0x28: {  	s8 =	sshll.u32 @!p0 s1, $0xE  }
0x29: {  	s8 =	sor.u32 @!p0 $0x4000, s8;
	s7 =	simm.s32 @!p0 $0x1B8D  }
0x2a: {  	s6 =	sshll.u32 @!p0 s6, $0x11;
	s8 =	sadd.s32 @!p0 $0x11B8D, s8;
	_ =	swait.eq @!p0 [sflag:s7], $0x1  }
0x2b: {  	s6 =	sor.u32 @!p0 s6, s8;
	[sflag:s7] =	ssyncadd.s32 @!p0 $0xFFFFFFFF  }
0x2c: {  	s26 =	simm.s32 $0x1B8E;
	[sflag:s6] =	ssyncadd.remote.s32 @!p0 $0x1  }
0x2d: {  	s27 =	simm.s32 $execute0_lowered;
	[smem:$0x3FD2] =	sst s26  }
0x2e: {  	s6 =	sshll.u32 s27, $0x1;
	_ =	strace $0x80000049;
	[dreg:$0x1] =	wrdreg $0xFFFFFFFF  }
0x2f: {  	s28 =	simm.s32 $_size_execute0_lowered;
	s5 =	sadd.s32 s5, s6;
	[dreg:$0x0] =	wrdreg $0x0  }
0x30: {  	s6 =	sshll.u32 s28, $0x1;
	[dreg:$0x2] =	wrdreg s5  }
0x31: {  	[dreg:$0x3] =	wrdreg s6  }
0x32: {  	[dreg:$0x4] =	wrdreg $0xC0  }
0x33: {  	_ =	task [dreg:s24], $0x5FFFF  }
0x34: {  	[dreg:$0x1] =	wrdreg $0xFFFFFFFF  }
0x35: {  	[dreg:$0x0] =	wrdreg $0x60  }
0x36: {  	[dreg:$0x2] =	wrdreg s20  }
0x37: {  	[dreg:$0x3] =	wrdreg s4  }
0x38: {  	[dreg:$0x4] =	wrdreg $0xA  }
0x39: {  	_ =	task.clear_ibuf [dreg:s24], $0x5FFFF;
	_ =	strace $0x90000049  }
0x3a: {  	s29 =	simm.s32 $0xA;
	_ =	strace $0x8000004B  }
0x3b: {  	_ =	swait.ge [sflag:s29], $0x1  }
0x3c: {  	[sflag:s29] =	ssyncadd.s32 $0xFFFFFFFF  }
0x3d: {  	_ =	strace $0x9000004B  }
0x3e: {  	_ =	sfence  }
0x3f: {  	s30 =	sld [smem:$0x0];
	_ =	sdelay $0x2  }
0x40: {  	s31 =	sshll.u32 s1, $0xD;
	s1 =	sshrl.u32 s1, $0x2  }
0x41: {  	s4 =	sand.u32 $0x4000, s31;
	s1 =	sadd.s32 s1, s30  }
0x42: {  	s0 =	sor.u32 s4, s0;
	s1 =	sshll.u32 s1, $0x11  }
0x43: {  	s0 =	sor.u32 s1, s0  }
0x44: {  	s0 =	sadd.s32 $0x8F2B, s0  }
0x45: {  	[sflag:s0] =	ssyncadd.remote.s32 $0x1  }
0x46: {  	_ =	sfence.sel $0xFFFF  }
0x47: {  	[dreg:$0x0] =	wrdreg $0xFFFFFFFF;
	(pc) =	sbr.abs _section_cstart, $3  }
0x48: {  	[dreg:$0x1] =	wrdreg $0xFFFFFFFF  }
0x49: {  	_ =	task.clear_ibuf [dreg:s24], $0x2FFFF;
	_ =	strace $0x9FFFFFFF  }
0x4a: {  	(tm) =	ssettm $0x7FFFFFFF  }
0x4b: {  	_ =	shalt  }
tec
execute0_lowered:
.L_overlay_start_1:
0x0: {  	(tag) =	ssettag $0x1  }
0x1: {  	s2 =	rddreg [dreg:$0x0]  }
0x2: {  	s3 =	rddreg [dreg:$0x1]  }
0x3: {  	s0 =	rddreg [dreg:$0x2];
	s4 =	srdreg.scid  }
.Ltmp0:
0x4: {  	_ =	strace $0x8000004A;
	s1 =	stileid.u32;
	(pc) =	sbr.rel .LBB1_1-.Ltmp0, $4  }
0x5: {  	s6 =	simm.s32 $0x2;
	p0 =	por $0x0, $0x0;
	s5 =	sshll.u32 s4, $0x4  }
0x6: {  	s9 =	simm.s32 $0x0;
	s4 =	simm.s32 $0x1;
	s5 =	sand.u32 $0x10, s5  }
0x7: {  	s7 =	simm.s32 $0x0;
	[sflag:s4] =	ssyncpa.u1 $0x0;
	s5 =	sor.u32 s1, s5  }
0x8: {  	[sflag:s6] =	ssyncpa.u1 $0x0;
	s6 =	simm.s32 $0x0;
	s8 =	smov.u32 s5  }
.LBB1_7:
0x9: {  	s11 =	sadd.s32 $0x20, s8  }
0xa: {  	p1 =	slt.u32 s7, $0x2;
	s7 =	sadd.s32 $0x1, s7;
	p2 =	sgt.s32 s11, $0x7FF  }
0xb: {  	s11 =	smov.u32 @p2 s5;
	p2 =	sne.s32 s7, $0x42  }
.Ltmp1:
0xc: {  	_ = 	snop;
	(pc) =	sbr.rel @!p2 .LBB1_8-.Ltmp1, $4  }
0xd: {  	s10 =	simm.s32 @!p1 $0x2  }
0xe: {  	_ =	swait.ge @!p1 [sflag:s10], $0x4000  }
0xf: {  	s9 =	smov.u32 s8;
	[sflag:s10] =	ssyncset.done @!p1 $0x0  }
0x10: {  	p0 =	por !p0, !p0;
	s8 =	smov.u32 s11;
	[sflag:s10] =	ssyncadd.s32 @!p1 $0xFFFFC000  }
.LBB1_1:
0x11: {  	p1 =	sgt.u32 s7, $0x3F  }
0x12: {  	s10 =	sxor.u32 @!p1 $0xFFFFFFFF, s7  }
0x13: {  	s11 =	sshll.u32 @!p1 s8, $0xB;
	s10 =	sshll.u32 @!p1 s10, $0xE  }
0x14: {  	s12 =	simm.s32 @!p1 $0x0;
	s11 =	sadd.s32 @!p1 s2, s11;
	s10 =	sand.u32 @!p1 $0x4000, s10  }
0x15: {  	[tilespmem:s10], [sflag:$0x1] =	stream.linear.gather @!p1 [hbm4b:s11+s12], $0x4000, $0x38;
	[tilespmem:$0x10000] =	vst v63  }
0x16: {  	p1 =	seq.s32 s7, $0x0  }
0x17: {  	p2 =	seq.s32 @!p1 s7, $0x41  }
0x18: {  	p1 =	por p1, p2  }
.Ltmp2:
0x19: {  	_ = 	snop;
	(pc) =	sbr.rel @p1 .LBB1_7-.Ltmp2, $1  }
0x1a: {  	_ =	sdelay $0x3  }
0x1b: {  	s10 =	simm.s32 $0x1;
	_ =	swait.ge [sflag:s4], $0x4000;
	s12 =	sshll.u32 s7, $0xE  }
0x1c: {  	s13 =	simm.s32 $0x0;
	s10 =	simm.s32 @!p0 $0x0;
	[sflag:s4] =	ssyncset.done $0x0  }
0x1d: {  	s12 =	sand.u32 $0x4000, s12;
	s11 =	sshll.u32 s10, $0xE;
	[sflag:s4] =	ssyncadd.s32 $0xFFFFC000  }
0x1e: {  	s12 =	sor.u32 $0x8000, s12;
	s10 =	sor.u32 $0x8040, s11;
	s11 =	sor.u32 $0x40, s11  }
.LBB1_3:
0x1f: {  	v0 =	vmov s11;
	_ =	sdelay $0x3  }
0x20: {  	s15 =	simm.s32 $0x0  }
0x21: {  	v6 =	vld.idx.msk [tilespmem:v0+s15+$0x30 ss:$0x1], $0xffff  }
0x22: {  	v7 =	vld.idx.msk [tilespmem:v0+s15+$0xFFFFFFC0 ss:$0x1], $0xffff  }
0x23: {  	v5 =	vld.idx.msk [tilespmem:v0+s15+$0xFFFFFFD0 ss:$0x1], $0xffff  }
0x24: {  	v4 =	vld.idx.msk [tilespmem:v0+s15+$0xFFFFFFE0 ss:$0x1], $0xffff  }
0x25: {  	v3 =	vld.idx.msk [tilespmem:v0+s15+$0xFFFFFFF0 ss:$0x1], $0xffff  }
0x26: {  	v1 =	vld.idx.msk [tilespmem:v0+s15+$0x0 ss:$0x1], $0xffff  }
0x27: {  	v2 =	vld.idx.msk [tilespmem:v0+s15+$0x10 ss:$0x1], $0xffff;
	[tilespmem:s10+$0x30] =	vst v6  }
0x28: {  	s14 =	simm.s32 $0x80;
	s16 =	simm.s32 $0x400;
	[tilespmem:s10+$0xFFFFFFC0] =	vst v7;
	v6 =	vld.idx.msk [tilespmem:v0+s15+$0x20 ss:$0x1], $0xffff;
	s15 =	smov.u32 s10  }
.LBB1_4:
0x29: {  	p1 =	sne.s32 s16, $0xE00;
	v7 =	vld.idx.msk [tilespmem:v0+s14+$0x30 ss:$0x1], $0xffff;
	[tilespmem:s15+$0xFFFFFFD0] =	vst v5  }
0x2a: {  	v8 =	vld.idx.msk [tilespmem:v0+s14+$0xFFFFFFC0 ss:$0x1], $0xffff;
	[tilespmem:s15+$0xFFFFFFE0] =	vst v4  }
0x2b: {  	v5 =	vld.idx.msk [tilespmem:v0+s14+$0xFFFFFFD0 ss:$0x1], $0xffff;
	[tilespmem:s15+$0xFFFFFFF0] =	vst v3  }
.Ltmp3:
0x2c: {  	v4 =	vld.idx.msk [tilespmem:v0+s14+$0xFFFFFFE0 ss:$0x1], $0xffff;
	[tilespmem:s15+$0x0] =	vst v1;
	(pc) =	sbr.rel @p1 .LBB1_4-.Ltmp3, $4  }
0x2d: {  	v3 =	vld.idx.msk [tilespmem:v0+s14+$0xFFFFFFF0 ss:$0x1], $0xffff;
	[tilespmem:s15+$0x10] =	vst v2  }
0x2e: {  	v1 =	vld.idx.msk [tilespmem:v0+s14+$0x0 ss:$0x1], $0xffff;
	[tilespmem:s15+$0x20] =	vst v6;
	s15 =	sadd.s32 $0x800, s15  }
0x2f: {  	v2 =	vld.idx.msk [tilespmem:v0+s14+$0x10 ss:$0x1], $0xffff;
	[tilespmem:s15+$0x30] =	vst v7  }
0x30: {  	[tilespmem:s15+$0xFFFFFFC0] =	vst v8;
	v6 =	vld.idx.msk [tilespmem:v0+s14+$0x20 ss:$0x1], $0xffff;
	s14 =	sshra.s32 s16, $0x2;
	s16 =	sadd.s32 $0x200, s16  }
0x31: {  	_ =	sdelay $0x2  }
0x32: {  	[tilespmem:s15+$0xFFFFFFD0] =	vst v5  }
0x33: {  	v56 =	vld.idx.msk [tilespmem:v0+s14+$0x30 ss:$0x1], $0xffff;
	[tilespmem:s15+$0xFFFFFFE0] =	vst v4  }
0x34: {  	v57 =	vld.idx.msk [tilespmem:v0+s14+$0xFFFFFFC0 ss:$0x1], $0xffff;
	[tilespmem:s15+$0xFFFFFFF0] =	vst v3  }
0x35: {  	v58 =	vld.idx.msk [tilespmem:v0+s14+$0xFFFFFFD0 ss:$0x1], $0xffff;
	[tilespmem:s15+$0x0] =	vst v1  }
0x36: {  	v59 =	vld.idx.msk [tilespmem:v0+s14+$0xFFFFFFE0 ss:$0x1], $0xffff;
	[tilespmem:s15+$0x10] =	vst v2  }
0x37: {  	v60 =	vld.idx.msk [tilespmem:v0+s14+$0xFFFFFFF0 ss:$0x1], $0xffff;
	s31 =	sadd.s32 $0x800, s15;
	[tilespmem:s15+$0x20] =	vst v6  }
0x38: {  	v61 =	vld.idx.msk [tilespmem:v0+s14+$0x0 ss:$0x1], $0xffff;
	[tilespmem:s31+$0x30] =	vst v56  }
0x39: {  	v62 =	vld.idx.msk [tilespmem:v0+s14+$0x10 ss:$0x1], $0xffff;
	s13 =	sadd.s32 $0x1, s13;
	[tilespmem:s31+$0xFFFFFFC0] =	vst v57  }
0x3a: {  	v63 =	vld.idx.msk [tilespmem:v0+s14+$0x20 ss:$0x1], $0xffff;
	p1 =	sne.s32 s13, $0x10;
	[tilespmem:s31+$0xFFFFFFD0] =	vst v58  }
.Ltmp4:
0x3b: {  	[tilespmem:s31+$0xFFFFFFE0] =	vst v59;
	(pc) =	sbr.rel @p1 .LBB1_3-.Ltmp4, $4  }
0x3c: {  	[tilespmem:s31+$0xFFFFFFF0] =	vst v60  }
0x3d: {  	[tilespmem:s31+$0x0] =	vst v61  }
0x3e: {  	[tilespmem:s31+$0x10] =	vst v62  }
0x3f: {  	s10 =	sadd.s32 $0x80, s10;
	s11 =	sadd.s32 $0x400, s11;
	[tilespmem:s31+$0x20] =	vst v63  }
.Ltmp5:
0x40: {  	(pc) =	sbr.rel .LBB1_7-.Ltmp5, $4  }
0x41: {  	_ = 	snop  }
0x42: {  	s9 =	sshll.u32 s9, $0xB  }
0x43: {  	s9 =	sadd.s32 s3, s9  }
0x44: {  	[hbm4b:s9+s6] =	stream.linear.scatter [tilespmem:s12], [sflag:$0x2], $0x4000, $0x38;
	[tilespmem:$0x10000] =	vst v63  }
.LBB1_8:
0x45: {  	_ =	sfence.sel $0x180000  }
0x46: {  	s2 =	simm.s32 $0x1;
	[bflag:$0x0] =	sbarrier.arrive $0xFFFF  }
0x47: {  	s31 =	simm.s32 $0x2;
	[sflag:s2] =	ssyncpa.u1 $0x1  }
0x48: {  	[sflag:s31] =	ssyncpa.u1 $0x1  }
0x49: {  	p0 =	sne.s32 s1, $0x0;
	_ =	strace $0x9000004A  }
0x4a: {  	s0 =	sadd.s32 @!p0 $0x100000, s0;
	[bflag:$0x2] =	sbarrier.arrive $0xFFFF  }
0x4b: {  	[sflag:s0] =	ssyncadd.tile.s32 @!p0 $0x1;
	_ =	shalt  }
.Lfunc_end1:
_tile_overlayer_lowered:
.L_overlay_start_2:
0x4c: {  	(tag) =	ssettag $0x2  }
0x4d: {  	s0 =	rddreg [dreg:$0x0];
	s2 =	stileid.u32  }
0x4e: {  	s1 =	rddreg [dreg:$0x1];
	p0 =	sne.s32 s2, $0x0  }
0x4f: {  	s3 =	rddreg [dreg:$0x2];
	[bflag:$0x3] =	sbarrier.arrive $0xFFFF;
	s2 =	simm.s32 @!p0 $0x1C01  }
0x50: {  	[timem:s3], [sflag:s2] =	dma.local @!p0 [hbm:s0], s1  }
0x51: {  	s0 =	simm.s32 @!p0 $0x1  }
0x52: {  	_ =	swait.ge @!p0 [sflag:s0], s1  }
0x53: {  	s1 =	ssub.s32 @!p0 $0x0, s1;
	[sflag:s0] =	ssyncset.done @!p0 $0x0  }
0x54: {  	[sflag:s0] =	ssyncadd.s32 @!p0 s1  }
0x55: {  	[bflag:$0x3] =	sbarrier.arrive $0xFFFF  }
0x56: {  	_ =	shalt  }

// kernel: sparse-core-data-format-call.cloned.1.call-start
scs
called_computation_lowered:
.L_overlay_start_0:
0x0: {  	s2 =	sld [smem:$0x3FD9]  }
0x1: {  	s3 =	sld [smem:$0x3FFE];
	_ =	sdelay $0x1  }
0x2: {  	s1 =	srdreg.scid  }
0x3: {  	s0 =	sand.u32 $0x1, s1  }
0x4: {  	s18 =	sshll.u32 s0, $0xA;
	s2 =	sadd.s32 s3, s2  }
0x5: {  	s2 =	sadd.s32 s2, s18  }
0x6: {  	[smem:$0x3FC6] =	sst s2  }
0x7: {  	_ = 	snop  }
0x8: {  	s2 =	sld [smem:$0x3FC8];
	(tm) =	ssettm $0x1  }
0x9: {  	s19 =	sld [smem:$0x3FFB];
	_ =	sdelay $0x3  }
0xa: {  	_ =	strace s19  }
0xb: {  	s3 =	sld [smem:$0x3FFC];
	_ =	sdelay $0x3  }
0xc: {  	_ =	strace s3  }
0xd: {  	s3 =	sld [smem:$0x3FFD];
	_ =	sdelay $0x3  }
0xe: {  	_ =	strace s3  }
0xf: {  	_ =	strace $0x8FFFFFFF  }
0x10: {  	s20 =	sld [smem:$0x3FDB];
	_ =	sdelay $0x1  }
0x11: {  	s4 =	simm.s32 $_scs_section_size  }
0x12: {  	s5 =	simm.s32 $_size__tile_overlayer_lowered;
	s6 =	simm.s32 $_tile_overlayer_lowered  }
0x13: {  	s23 =	simm.s32 $0x1BFF;
	s22 =	sshll.u32 s6, $0x1;
	s3 =	sadd.s32 s4, s20  }
0x14: {  	s7 =	simm.s32 $0x0;
	s21 =	sshll.u32 s5, $0x1;
	s5 =	sadd.s32 s22, s3  }
0x15: {  	[timem:s7], [sflag:s23] =	dma.local [hbm:s5], s21  }
0x16: {  	_ =	swait.ge [sflag:s23], s21  }
0x17: {  	s4 =	ssub.s32 $0x0, s21;
	[sflag:s23] =	ssyncset.done $0x0  }
0x18: {  	[sflag:s23] =	ssyncadd.s32 s4;
	_ =	sdelay $0x1  }
0x19: {  	s24 =	simm.s32 $0x1B8B  }
0x1a: {  	_ =	swait.ge [sflag:s24], $0x1  }
0x1b: {  	[sflag:s24] =	ssyncset.done $0x0  }
0x1c: {  	s26 =	simm.s32 $0x1B8E;
	s25 =	sld [smem:$0x3FFE];
	[sflag:s24] =	ssyncadd.s32 $0xFFFFFFFF  }
0x1d: {  	s27 =	simm.s32 $execute0_lowered;
	[smem:$0x3FD2] =	sst s26  }
0x1e: {  	s5 =	sshll.u32 s27, $0x1;
	_ =	strace $0x80000046;
	[dreg:$0x1] =	wrdreg $0xFFFFFFFF  }
0x1f: {  	s28 =	simm.s32 $_size_execute0_lowered;
	s3 =	sadd.s32 s3, s5;
	[dreg:$0x0] =	wrdreg $0x0  }
0x20: {  	s5 =	sshll.u32 s28, $0x1;
	[dreg:$0x2] =	wrdreg s3  }
0x21: {  	[dreg:$0x3] =	wrdreg s5  }
0x22: {  	[dreg:$0x4] =	wrdreg $0xC0  }
0x23: {  	_ =	task [dreg:s7], $0x5FFFF  }
0x24: {  	[dreg:$0x1] =	wrdreg $0xFFFFFFFF  }
0x25: {  	[dreg:$0x0] =	wrdreg $0x60  }
0x26: {  	[dreg:$0x2] =	wrdreg s2  }
0x27: {  	[dreg:$0x3] =	wrdreg s25  }
0x28: {  	[dreg:$0x4] =	wrdreg $0x9  }
0x29: {  	_ =	task.clear_ibuf [dreg:s7], $0x5FFFF;
	_ =	strace $0x90000046  }
0x2a: {  	s29 =	simm.s32 $0x9;
	_ =	strace $0x80000048  }
0x2b: {  	_ =	swait.ge [sflag:s29], $0x1  }
0x2c: {  	[sflag:s29] =	ssyncadd.s32 $0xFFFFFFFF  }
0x2d: {  	_ =	strace $0x90000048  }
0x2e: {  	_ =	sfence  }
0x2f: {  	s30 =	sld [smem:$0x0];
	_ =	sdelay $0x2  }
0x30: {  	s31 =	sshll.u32 s1, $0xD;
	s1 =	sshrl.u32 s1, $0x2  }
0x31: {  	s3 =	sand.u32 $0x4000, s31;
	s1 =	sadd.s32 s1, s30  }
0x32: {  	s0 =	sor.u32 s3, s0;
	s1 =	sshll.u32 s1, $0x11  }
0x33: {  	s0 =	sor.u32 s1, s0  }
0x34: {  	s0 =	sadd.s32 $0x8F2B, s0  }
0x35: {  	[sflag:s0] =	ssyncadd.remote.s32 $0x1  }
0x36: {  	_ =	sfence.sel $0xFFFF  }
0x37: {  	[dreg:$0x0] =	wrdreg $0xFFFFFFFF;
	(pc) =	sbr.abs _section_cstart, $3  }
0x38: {  	[dreg:$0x1] =	wrdreg $0xFFFFFFFF  }
0x39: {  	_ =	task.clear_ibuf [dreg:s7], $0x2FFFF;
	_ =	strace $0x9FFFFFFF  }
0x3a: {  	(tm) =	ssettm $0x7FFFFFFF  }
0x3b: {  	_ =	shalt  }
tec
execute0_lowered:
.L_overlay_start_1:
0x0: {  	(tag) =	ssettag $0x1  }
0x1: {  	s2 =	rddreg [dreg:$0x0]  }
0x2: {  	s1 =	rddreg [dreg:$0x1]  }
0x3: {  	s0 =	rddreg [dreg:$0x2];
	_ =	strace $0x80000047;
	s4 =	srdreg.scid  }
.Ltmp0:
0x4: {  	s6 =	simm.s32 $0x2;
	p0 =	por $0x0, $0x0;
	(pc) =	sbr.rel .LBB1_1-.Ltmp0, $4  }
0x5: {  	s9 =	simm.s32 $0x0;
	s3 =	sadd.s32 $0xC00, s1;
	s5 =	sshll.u32 s4, $0x4  }
0x6: {  	s1 =	stileid.u32;
	s4 =	simm.s32 $0x1;
	s5 =	sand.u32 $0x10, s5  }
0x7: {  	s7 =	simm.s32 $0x0;
	[sflag:s4] =	ssyncpa.u1 $0x0;
	s5 =	sor.u32 s1, s5  }
0x8: {  	[sflag:s6] =	ssyncpa.u1 $0x0;
	s6 =	simm.s32 $0x0;
	s8 =	smov.u32 s5  }
.LBB1_7:
0x9: {  	s11 =	sadd.s32 $0x20, s8  }
0xa: {  	p1 =	slt.u32 s7, $0x2;
	s7 =	sadd.s32 $0x1, s7;
	p2 =	sgt.s32 s11, $0x1FF  }
0xb: {  	s11 =	smov.u32 @p2 s5;
	p2 =	sne.s32 s7, $0x12  }
.Ltmp1:
0xc: {  	_ = 	snop;
	(pc) =	sbr.rel @!p2 .LBB1_8-.Ltmp1, $4  }
0xd: {  	s10 =	simm.s32 @!p1 $0x2  }
0xe: {  	_ =	swait.ge @!p1 [sflag:s10], $0x4000  }
0xf: {  	s9 =	smov.u32 s8;
	[sflag:s10] =	ssyncset.done @!p1 $0x0  }
0x10: {  	p0 =	por !p0, !p0;
	s8 =	smov.u32 s11;
	[sflag:s10] =	ssyncadd.s32 @!p1 $0xFFFFC000  }
.LBB1_1:
0x11: {  	p1 =	sgt.u32 s7, $0xF  }
0x12: {  	s10 =	sxor.u32 @!p1 $0xFFFFFFFF, s7  }
0x13: {  	s11 =	sshll.u32 @!p1 s8, $0xB;
	s10 =	sshll.u32 @!p1 s10, $0xE  }
0x14: {  	s12 =	simm.s32 @!p1 $0x0;
	s11 =	sadd.s32 @!p1 s2, s11;
	s10 =	sand.u32 @!p1 $0x4000, s10  }
0x15: {  	[tilespmem:s10], [sflag:$0x1] =	stream.linear.gather @!p1 [hbm4b:s11+s12], $0x4000, $0x38;
	[tilespmem:$0x10000] =	vst v63  }
0x16: {  	p1 =	seq.s32 s7, $0x0  }
0x17: {  	p2 =	seq.s32 @!p1 s7, $0x11  }
0x18: {  	p1 =	por p1, p2  }
.Ltmp2:
0x19: {  	_ = 	snop;
	(pc) =	sbr.rel @p1 .LBB1_7-.Ltmp2, $1  }
0x1a: {  	_ =	sdelay $0x3  }
0x1b: {  	s10 =	simm.s32 $0x1;
	_ =	swait.ge [sflag:s4], $0x4000;
	s12 =	sshll.u32 s7, $0xE  }
0x1c: {  	s13 =	simm.s32 $0x0;
	s10 =	simm.s32 @!p0 $0x0;
	[sflag:s4] =	ssyncset.done $0x0  }
0x1d: {  	s12 =	sand.u32 $0x4000, s12;
	s11 =	sshll.u32 s10, $0xE;
	[sflag:s4] =	ssyncadd.s32 $0xFFFFC000  }
0x1e: {  	s12 =	sor.u32 $0x8000, s12;
	s10 =	sor.u32 $0x8040, s11;
	s11 =	sor.u32 $0x40, s11  }
.LBB1_3:
0x1f: {  	v0 =	vmov s11;
	_ =	sdelay $0x3  }
0x20: {  	s15 =	simm.s32 $0x0  }
0x21: {  	v6 =	vld.idx.msk [tilespmem:v0+s15+$0x30 ss:$0x1], $0xffff  }
0x22: {  	v7 =	vld.idx.msk [tilespmem:v0+s15+$0xFFFFFFC0 ss:$0x1], $0xffff  }
0x23: {  	v5 =	vld.idx.msk [tilespmem:v0+s15+$0xFFFFFFD0 ss:$0x1], $0xffff  }
0x24: {  	v4 =	vld.idx.msk [tilespmem:v0+s15+$0xFFFFFFE0 ss:$0x1], $0xffff  }
0x25: {  	v3 =	vld.idx.msk [tilespmem:v0+s15+$0xFFFFFFF0 ss:$0x1], $0xffff  }
0x26: {  	v1 =	vld.idx.msk [tilespmem:v0+s15+$0x0 ss:$0x1], $0xffff  }
0x27: {  	v2 =	vld.idx.msk [tilespmem:v0+s15+$0x10 ss:$0x1], $0xffff;
	[tilespmem:s10+$0x30] =	vst v6  }
0x28: {  	s14 =	simm.s32 $0x80;
	s16 =	simm.s32 $0x400;
	[tilespmem:s10+$0xFFFFFFC0] =	vst v7;
	v6 =	vld.idx.msk [tilespmem:v0+s15+$0x20 ss:$0x1], $0xffff;
	s15 =	smov.u32 s10  }
.LBB1_4:
0x29: {  	p1 =	sne.s32 s16, $0xE00;
	v7 =	vld.idx.msk [tilespmem:v0+s14+$0x30 ss:$0x1], $0xffff;
	[tilespmem:s15+$0xFFFFFFD0] =	vst v5  }
0x2a: {  	v8 =	vld.idx.msk [tilespmem:v0+s14+$0xFFFFFFC0 ss:$0x1], $0xffff;
	[tilespmem:s15+$0xFFFFFFE0] =	vst v4  }
0x2b: {  	v5 =	vld.idx.msk [tilespmem:v0+s14+$0xFFFFFFD0 ss:$0x1], $0xffff;
	[tilespmem:s15+$0xFFFFFFF0] =	vst v3  }
.Ltmp3:
0x2c: {  	v4 =	vld.idx.msk [tilespmem:v0+s14+$0xFFFFFFE0 ss:$0x1], $0xffff;
	[tilespmem:s15+$0x0] =	vst v1;
	(pc) =	sbr.rel @p1 .LBB1_4-.Ltmp3, $4  }
0x2d: {  	v3 =	vld.idx.msk [tilespmem:v0+s14+$0xFFFFFFF0 ss:$0x1], $0xffff;
	[tilespmem:s15+$0x10] =	vst v2  }
0x2e: {  	v1 =	vld.idx.msk [tilespmem:v0+s14+$0x0 ss:$0x1], $0xffff;
	[tilespmem:s15+$0x20] =	vst v6;
	s15 =	sadd.s32 $0x800, s15  }
0x2f: {  	v2 =	vld.idx.msk [tilespmem:v0+s14+$0x10 ss:$0x1], $0xffff;
	[tilespmem:s15+$0x30] =	vst v7  }
0x30: {  	[tilespmem:s15+$0xFFFFFFC0] =	vst v8;
	v6 =	vld.idx.msk [tilespmem:v0+s14+$0x20 ss:$0x1], $0xffff;
	s14 =	sshra.s32 s16, $0x2;
	s16 =	sadd.s32 $0x200, s16  }
0x31: {  	_ =	sdelay $0x2  }
0x32: {  	[tilespmem:s15+$0xFFFFFFD0] =	vst v5  }
0x33: {  	v56 =	vld.idx.msk [tilespmem:v0+s14+$0x30 ss:$0x1], $0xffff;
	[tilespmem:s15+$0xFFFFFFE0] =	vst v4  }
0x34: {  	v57 =	vld.idx.msk [tilespmem:v0+s14+$0xFFFFFFC0 ss:$0x1], $0xffff;
	[tilespmem:s15+$0xFFFFFFF0] =	vst v3  }
0x35: {  	v58 =	vld.idx.msk [tilespmem:v0+s14+$0xFFFFFFD0 ss:$0x1], $0xffff;
	[tilespmem:s15+$0x0] =	vst v1  }
0x36: {  	v59 =	vld.idx.msk [tilespmem:v0+s14+$0xFFFFFFE0 ss:$0x1], $0xffff;
	[tilespmem:s15+$0x10] =	vst v2  }
0x37: {  	v60 =	vld.idx.msk [tilespmem:v0+s14+$0xFFFFFFF0 ss:$0x1], $0xffff;
	s31 =	sadd.s32 $0x800, s15;
	[tilespmem:s15+$0x20] =	vst v6  }
0x38: {  	v61 =	vld.idx.msk [tilespmem:v0+s14+$0x0 ss:$0x1], $0xffff;
	[tilespmem:s31+$0x30] =	vst v56  }
0x39: {  	v62 =	vld.idx.msk [tilespmem:v0+s14+$0x10 ss:$0x1], $0xffff;
	s13 =	sadd.s32 $0x1, s13;
	[tilespmem:s31+$0xFFFFFFC0] =	vst v57  }
0x3a: {  	v63 =	vld.idx.msk [tilespmem:v0+s14+$0x20 ss:$0x1], $0xffff;
	p1 =	sne.s32 s13, $0x10;
	[tilespmem:s31+$0xFFFFFFD0] =	vst v58  }
.Ltmp4:
0x3b: {  	[tilespmem:s31+$0xFFFFFFE0] =	vst v59;
	(pc) =	sbr.rel @p1 .LBB1_3-.Ltmp4, $4  }
0x3c: {  	[tilespmem:s31+$0xFFFFFFF0] =	vst v60  }
0x3d: {  	[tilespmem:s31+$0x0] =	vst v61  }
0x3e: {  	[tilespmem:s31+$0x10] =	vst v62  }
0x3f: {  	s10 =	sadd.s32 $0x80, s10;
	s11 =	sadd.s32 $0x400, s11;
	[tilespmem:s31+$0x20] =	vst v63  }
.Ltmp5:
0x40: {  	(pc) =	sbr.rel .LBB1_7-.Ltmp5, $4  }
0x41: {  	_ = 	snop  }
0x42: {  	s9 =	sshll.u32 s9, $0xB  }
0x43: {  	s9 =	sadd.s32 s3, s9  }
0x44: {  	[hbm4b:s9+s6] =	stream.linear.scatter [tilespmem:s12], [sflag:$0x2], $0x4000, $0x38;
	[tilespmem:$0x10000] =	vst v63  }
.LBB1_8:
0x45: {  	_ =	sfence.sel $0x180000  }
0x46: {  	s2 =	simm.s32 $0x1;
	[bflag:$0x0] =	sbarrier.arrive $0xFFFF  }
0x47: {  	s31 =	simm.s32 $0x2;
	[sflag:s2] =	ssyncpa.u1 $0x1  }
0x48: {  	[sflag:s31] =	ssyncpa.u1 $0x1  }
0x49: {  	p0 =	sne.s32 s1, $0x0;
	_ =	strace $0x90000047  }
0x4a: {  	s0 =	sadd.s32 @!p0 $0x100000, s0;
	[bflag:$0x2] =	sbarrier.arrive $0xFFFF  }
0x4b: {  	[sflag:s0] =	ssyncadd.tile.s32 @!p0 $0x1;
	_ =	shalt  }
.Lfunc_end1:
_tile_overlayer_lowered:
.L_overlay_start_2:
0x4c: {  	(tag) =	ssettag $0x2  }
0x4d: {  	s0 =	rddreg [dreg:$0x0];
	s2 =	stileid.u32  }
0x4e: {  	s1 =	rddreg [dreg:$0x1];
	p0 =	sne.s32 s2, $0x0  }
0x4f: {  	s3 =	rddreg [dreg:$0x2];
	[bflag:$0x3] =	sbarrier.arrive $0xFFFF;
	s2 =	simm.s32 @!p0 $0x1C01  }
0x50: {  	[timem:s3], [sflag:s2] =	dma.local @!p0 [hbm:s0], s1  }
0x51: {  	s0 =	simm.s32 @!p0 $0x1  }
0x52: {  	_ =	swait.ge @!p0 [sflag:s0], s1  }
0x53: {  	s1 =	ssub.s32 @!p0 $0x0, s1;
	[sflag:s0] =	ssyncset.done @!p0 $0x0  }
0x54: {  	[sflag:s0] =	ssyncadd.s32 @!p0 s1  }
0x55: {  	[bflag:$0x3] =	sbarrier.arrive $0xFFFF  }
0x56: {  	_ =	shalt  }

</sc_bundles>
